<compile_context>
chip_gen: v7x
topology: tpu7x:2x2x1
jax: 0.10.2.dev20260603
libtpu: 0.0.44.dev20260713+nightly
codegen_flags: <defaults>
</compile_context>

<pallas_src>
import functools

import jax
import jax.numpy as jnp
from jax import lax
from jax.experimental import pallas as pl
from jax.experimental.pallas import tpu as pltpu
from jax.experimental.pallas import tpu_sc as plsc

BATCH = 4096
SEQ = 200
EMBED = 64
PADW = 128
LANES = 16
VOCAB = 1000000
PBLK = 8192

NC, NS = 2, 16
NW = NC * NS
CHUNK = 100
FLAT = BATCH * SEQ
NCHUNKS = FLAT // CHUNK
CHUNKS_PER_W = NCHUNKS // NW
HALF = 4
NBUF = 2 * HALF
NOUTER = CHUNKS_PER_W // HALF


def _pad_body(t_ref, out_ref):
    x = t_ref[...]
    out_ref[:, :EMBED] = x.T
    out_ref[:, EMBED:] = jnp.zeros((PBLK, PADW - EMBED), jnp.float32)


def _pad_tc(t_transposed):
    return pl.pallas_call(
        _pad_body,
        grid=(pl.cdiv(VOCAB, PBLK),),
        in_specs=[pl.BlockSpec((EMBED, PBLK), lambda i: (0, i))],
        out_specs=pl.BlockSpec((PBLK, PADW), lambda i: (i, 0)),
        out_shape=jax.ShapeDtypeStruct((VOCAB, PADW), jnp.float32),
    )(t_transposed)


def _emb_kernel(idx_hbm, table_hbm, pos_hbm, out_hbm,
                idx_v, pos_v, b0, b1, b2, b3, b4, b5, b6, b7,
                g0, g1, g2, g3, g4, g5, g6, g7,
                w0, w1, w2, w3, w4, w5, w6, w7):
    bufs = [b0, b1, b2, b3, b4, b5, b6, b7]
    gsems = [g0, g1, g2, g3, g4, g5, g6, g7]
    wsems = [w0, w1, w2, w3, w4, w5, w6, w7]

    c = lax.axis_index("c")
    s = lax.axis_index("s")
    wid = s * NC + c
    cbase = wid * CHUNKS_PER_W

    pltpu.sync_copy(idx_hbm.at[pl.ds(cbase, CHUNKS_PER_W)], idx_v)
    pltpu.sync_copy(pos_hbm, pos_v)

    def gather_start(i_local, b):
        pltpu.async_copy(table_hbm.at[idx_v.at[i_local]], bufs[b], gsems[b])

    def gather_wait(b):
        pltpu.make_async_copy(table_hbm.at[idx_v.at[0]], bufs[b], gsems[b]).wait()

    def wb_start(i_local, b):
        pltpu.async_copy(
            bufs[b],
            out_hbm.at[pl.ds((cbase + i_local) * CHUNK, CHUNK), pl.ds(0, EMBED)],
            wsems[b])

    def wb_wait(b):
        pltpu.make_async_copy(
            bufs[b],
            out_hbm.at[pl.ds(0, CHUNK), pl.ds(0, EMBED)], wsems[b]).wait()

    def add_pos(i_local, b):
        pbase = (b % 2) * CHUNK
        buf = bufs[b]

        @plsc.parallel_loop(0, CHUNK, step=1, unroll=4)
        def _(r):
            pr = pbase + r
            for c4 in range(EMBED // LANES):
                sl = pl.ds(c4 * LANES, LANES)
                buf[r, sl] = buf[r, sl] + pos_v[pr, sl]

    for b in range(HALF):
        gather_start(b, b)

    def outer(t, carry):
        for phase in range(2):
            g = 2 * t + phase
            pb = phase * HALF
            ob = (1 - phase) * HALF
            for b in range(HALF):
                @pl.when(g + 1 < NOUTER)
                def _():
                    @pl.when(g >= 1)
                    def _():
                        wb_wait(ob + b)
                    gather_start((g + 1) * HALF + b, ob + b)
            for b in range(HALF):
                gather_wait(pb + b)
                add_pos(g * HALF + b, pb + b)
                wb_start(g * HALF + b, pb + b)
        return carry

    lax.fori_loop(0, NOUTER // 2, outer, 0)
    for b in range(NBUF):
        wb_wait(b)


@jax.jit
def _emb_lookup(idx, table_pad, position_table):
    mesh = plsc.VectorSubcoreMesh(core_axis_name="c", subcore_axis_name="s")
    f = functools.partial(
        pl.kernel,
        out_type=jax.ShapeDtypeStruct((FLAT, PADW), jnp.float32),
        mesh=mesh,
        scratch_types=[
            pltpu.VMEM((CHUNKS_PER_W, CHUNK), jnp.int32),
            pltpu.VMEM((SEQ, EMBED), jnp.float32),
        ] + [pltpu.VMEM((CHUNK, EMBED), jnp.float32) for _ in range(NBUF)]
          + [pltpu.SemaphoreType.DMA for _ in range(2 * NBUF)],
        compiler_params=pltpu.CompilerParams(use_tc_tiling_on_sc=False),
    )(_emb_kernel)
    return f(idx, table_pad, position_table)


def kernel(inputs, token_table, position_table):
    idx = (inputs.reshape(-1).astype(jnp.int32) * 2).reshape(NCHUNKS, CHUNK)
    table2 = _pad_tc(token_table.T).reshape(VOCAB * 2, EMBED)
    out = _emb_lookup(idx, table2, position_table)
    return out[:, :EMBED].reshape(BATCH, SEQ, EMBED)

# --- scband reference (transcript-rebuilt; emitter-appended) ---
"""Pipeline reference for scband-custom-embedding-72688026518216 (READ-ONLY COPY).

The authoritative reference and input builder live on the scoring server;
editing this copy changes nothing except your own understanding.
"""

import jax, jax.numpy as jnp
import numpy as np

VOCAB = 1000000
SEQ_LEN = 200
EMBED_DIM = 64
BATCH = 4096

def setup_inputs(seed: int = 0) -> dict:
    key = jax.random.key(seed)
    k1, k2, k3 = jax.random.split(key, 3)
    inputs = jax.random.randint(k1, (BATCH, SEQ_LEN), 0, VOCAB, dtype=jnp.int64 if jax.config.jax_enable_x64 else jnp.int32)
    token_table = jax.random.normal(k2, (VOCAB, EMBED_DIM), dtype=jnp.float32) * 0.02
    position_table = jax.random.normal(k3, (SEQ_LEN, EMBED_DIM), dtype=jnp.float32) * 0.02
    return {"inputs": inputs, "token_table": token_table, "position_table": position_table}

def reference(inputs, token_table, position_table):
    length = inputs.shape[-1]
    positions = jnp.arange(0, length)
    embedded_tokens = jnp.take(token_table, inputs, axis=0)
    embedded_positions = jnp.take(position_table, positions, axis=0)
    return embedded_tokens + embedded_positions

if __name__ == "__main__":
    import jax
    _d = setup_inputs()
    print(jax.jit(kernel)(*tuple(_d.values())))

</pallas_src>

<mosaic_0001>
#map = affine_map<(d0, d1) -> (0, 0)>
module attributes {stable_mosaic.version = 14 : i64} {
  func.func @_emb_kernel(%arg0: i32, %arg1: i32, %arg2: memref<8192x100xi32, #tpu.memory_space<hbm>>, %arg3: memref<2000000x64xf32, #tpu.memory_space<hbm>>, %arg4: memref<200x64xf32, #tpu.memory_space<hbm>>, %arg5: memref<819200x128xf32, #tpu.memory_space<hbm>>, %arg6: memref<256x100xi32, #tpu.memory_space<vmem>>, %arg7: memref<200x64xf32, #tpu.memory_space<vmem>>, %arg8: memref<100x64xf32, #tpu.memory_space<vmem>>, %arg9: memref<100x64xf32, #tpu.memory_space<vmem>>, %arg10: memref<100x64xf32, #tpu.memory_space<vmem>>, %arg11: memref<100x64xf32, #tpu.memory_space<vmem>>, %arg12: memref<100x64xf32, #tpu.memory_space<vmem>>, %arg13: memref<100x64xf32, #tpu.memory_space<vmem>>, %arg14: memref<100x64xf32, #tpu.memory_space<vmem>>, %arg15: memref<100x64xf32, #tpu.memory_space<vmem>>, %arg16: memref<!tpu.dma_semaphore, #tpu.memory_space<semaphore_mem>>, %arg17: memref<!tpu.dma_semaphore, #tpu.memory_space<semaphore_mem>>, %arg18: memref<!tpu.dma_semaphore, #tpu.memory_space<semaphore_mem>>, %arg19: memref<!tpu.dma_semaphore, #tpu.memory_space<semaphore_mem>>, %arg20: memref<!tpu.dma_semaphore, #tpu.memory_space<semaphore_mem>>, %arg21: memref<!tpu.dma_semaphore, #tpu.memory_space<semaphore_mem>>, %arg22: memref<!tpu.dma_semaphore, #tpu.memory_space<semaphore_mem>>, %arg23: memref<!tpu.dma_semaphore, #tpu.memory_space<semaphore_mem>>, %arg24: memref<!tpu.dma_semaphore, #tpu.memory_space<semaphore_mem>>, %arg25: memref<!tpu.dma_semaphore, #tpu.memory_space<semaphore_mem>>, %arg26: memref<!tpu.dma_semaphore, #tpu.memory_space<semaphore_mem>>, %arg27: memref<!tpu.dma_semaphore, #tpu.memory_space<semaphore_mem>>, %arg28: memref<!tpu.dma_semaphore, #tpu.memory_space<semaphore_mem>>, %arg29: memref<!tpu.dma_semaphore, #tpu.memory_space<semaphore_mem>>, %arg30: memref<!tpu.dma_semaphore, #tpu.memory_space<semaphore_mem>>, %arg31: memref<!tpu.dma_semaphore, #tpu.memory_space<semaphore_mem>>) attributes {dimension_semantics = [#tpu.dimension_semantics<core_parallel>, #tpu.dimension_semantics<subcore_parallel>], iteration_bounds = array<i64: 2, 16>, scalar_prefetch = 0 : i64, scratch_operands = 26 : i64, tpu.core_type = #tpu.core_type<sc_vector_subcore>, window_params = [{transform_indices = #map}, {transform_indices = #map}, {transform_indices = #map}, {transform_indices = #map}]} {
    %mul3A = arith.constant 2 : i32
    %mul3A_0 = arith.muli %arg1, %mul3A : i32
    %add3A = arith.addi %mul3A_0, %arg0 : i32
    %mul3A_1 = arith.constant 256 : i32
    %mul3A_2 = arith.muli %add3A, %mul3A_1 : i32
    "tpu.region"() ({
      %run_scoped3A = tpu.sem_alloc : memref<!tpu.dma_semaphore, #tpu.memory_space<semaphore_mem>>
      %dma_start3A_82 = arith.constant 0 : i32
      %dma_start3A_83 = tpu.memref_slice %arg2[%mul3A_2, %dma_start3A_82] : memref<8192x100xi32, #tpu.memory_space<hbm>> -> memref<256x100xi32, #tpu.memory_space<hbm>>
      %dma_start3A_84 = arith.constant 0 : i32
      %dma_start3A_85 = tpu.memref_slice %arg2[%mul3A_2, %dma_start3A_84] : memref<8192x100xi32, #tpu.memory_space<hbm>> -> memref<256x100xi32, #tpu.memory_space<hbm>>
      tpu.enqueue_dma source(%dma_start3A_85 : memref<256x100xi32, #tpu.memory_space<hbm>>) target(%arg6 : memref<256x100xi32, #tpu.memory_space<vmem>>) target_semaphore(%run_scoped3A : memref<!tpu.dma_semaphore, #tpu.memory_space<semaphore_mem>>)
      %dma_wait3A_86 = arith.constant 0 : i32
      %dma_wait3A_87 = tpu.memref_slice %arg2[%mul3A_2, %dma_wait3A_86] : memref<8192x100xi32, #tpu.memory_space<hbm>> -> memref<256x100xi32, #tpu.memory_space<hbm>>
      %dma_wait3A_88 = arith.constant 0 : i32
      %dma_wait3A_89 = tpu.memref_slice %arg2[%mul3A_2, %dma_wait3A_88] : memref<8192x100xi32, #tpu.memory_space<hbm>> -> memref<256x100xi32, #tpu.memory_space<hbm>>
      tpu.wait_dma2 semaphore(%run_scoped3A : memref<!tpu.dma_semaphore, #tpu.memory_space<semaphore_mem>>) src(%dma_wait3A_89 : memref<256x100xi32, #tpu.memory_space<hbm>>) dst(%arg6 : memref<256x100xi32, #tpu.memory_space<vmem>>)
      tpu.yield
    }) : () -> ()
    "tpu.region"() ({
      %run_scoped3A = tpu.sem_alloc : memref<!tpu.dma_semaphore, #tpu.memory_space<semaphore_mem>>
      tpu.enqueue_dma source(%arg4 : memref<200x64xf32, #tpu.memory_space<hbm>>) target(%arg7 : memref<200x64xf32, #tpu.memory_space<vmem>>) target_semaphore(%run_scoped3A : memref<!tpu.dma_semaphore, #tpu.memory_space<semaphore_mem>>)
      tpu.wait_dma2 semaphore(%run_scoped3A : memref<!tpu.dma_semaphore, #tpu.memory_space<semaphore_mem>>) src(%arg4 : memref<200x64xf32, #tpu.memory_space<hbm>>) dst(%arg7 : memref<200x64xf32, #tpu.memory_space<vmem>>)
      tpu.yield
    }) : () -> ()
    %dma_start3A = arith.constant 0 : i32
    %dma_start3A_3 = arith.constant 0 : i32
    %dma_start3A_4 = tpu.memref_slice %arg6[%dma_start3A, %dma_start3A_3] : memref<256x100xi32, #tpu.memory_space<vmem>> -> memref<1x100xi32, #tpu.memory_space<vmem>>
    %dma_start3A_5 = tpu.memref_squeeze %dma_start3A_4 : memref<1x100xi32, #tpu.memory_space<vmem>> -> memref<100xi32, #tpu.memory_space<vmem>>
    %dma_start3A_6 = arith.constant 0 : i32
    %dma_start3A_7 = arith.constant 0 : i32
    %dma_start3A_8 = tpu.memref_slice %arg3[%dma_start3A_6, %dma_start3A_7] : memref<2000000x64xf32, #tpu.memory_space<hbm>> -> memref<2000000x64xf32, #tpu.memory_space<hbm>>
    tpu.enqueue_indirect_dma source(%dma_start3A_8 : memref<2000000x64xf32, #tpu.memory_space<hbm>>) target(%arg8 : memref<100x64xf32, #tpu.memory_space<vmem>>) offsets(%dma_start3A_5 : memref<100xi32, #tpu.memory_space<vmem>>) semaphore(%arg16 : memref<!tpu.dma_semaphore, #tpu.memory_space<semaphore_mem>>)
    %dma_start3A_9 = arith.constant 1 : i32
    %dma_start3A_10 = arith.constant 0 : i32
    %dma_start3A_11 = tpu.memref_slice %arg6[%dma_start3A_9, %dma_start3A_10] : memref<256x100xi32, #tpu.memory_space<vmem>> -> memref<1x100xi32, #tpu.memory_space<vmem>>
    %dma_start3A_12 = tpu.memref_squeeze %dma_start3A_11 : memref<1x100xi32, #tpu.memory_space<vmem>> -> memref<100xi32, #tpu.memory_space<vmem>>
    %dma_start3A_13 = arith.constant 0 : i32
    %dma_start3A_14 = arith.constant 0 : i32
    %dma_start3A_15 = tpu.memref_slice %arg3[%dma_start3A_13, %dma_start3A_14] : memref<2000000x64xf32, #tpu.memory_space<hbm>> -> memref<2000000x64xf32, #tpu.memory_space<hbm>>
    tpu.enqueue_indirect_dma source(%dma_start3A_15 : memref<2000000x64xf32, #tpu.memory_space<hbm>>) target(%arg9 : memref<100x64xf32, #tpu.memory_space<vmem>>) offsets(%dma_start3A_12 : memref<100xi32, #tpu.memory_space<vmem>>) semaphore(%arg17 : memref<!tpu.dma_semaphore, #tpu.memory_space<semaphore_mem>>)
    %dma_start3A_16 = arith.constant 2 : i32
    %dma_start3A_17 = arith.constant 0 : i32
    %dma_start3A_18 = tpu.memref_slice %arg6[%dma_start3A_16, %dma_start3A_17] : memref<256x100xi32, #tpu.memory_space<vmem>> -> memref<1x100xi32, #tpu.memory_space<vmem>>
    %dma_start3A_19 = tpu.memref_squeeze %dma_start3A_18 : memref<1x100xi32, #tpu.memory_space<vmem>> -> memref<100xi32, #tpu.memory_space<vmem>>
    %dma_start3A_20 = arith.constant 0 : i32
    %dma_start3A_21 = arith.constant 0 : i32
    %dma_start3A_22 = tpu.memref_slice %arg3[%dma_start3A_20, %dma_start3A_21] : memref<2000000x64xf32, #tpu.memory_space<hbm>> -> memref<2000000x64xf32, #tpu.memory_space<hbm>>
    tpu.enqueue_indirect_dma source(%dma_start3A_22 : memref<2000000x64xf32, #tpu.memory_space<hbm>>) target(%arg10 : memref<100x64xf32, #tpu.memory_space<vmem>>) offsets(%dma_start3A_19 : memref<100xi32, #tpu.memory_space<vmem>>) semaphore(%arg18 : memref<!tpu.dma_semaphore, #tpu.memory_space<semaphore_mem>>)
    %dma_start3A_23 = arith.constant 3 : i32
    %dma_start3A_24 = arith.constant 0 : i32
    %dma_start3A_25 = tpu.memref_slice %arg6[%dma_start3A_23, %dma_start3A_24] : memref<256x100xi32, #tpu.memory_space<vmem>> -> memref<1x100xi32, #tpu.memory_space<vmem>>
    %dma_start3A_26 = tpu.memref_squeeze %dma_start3A_25 : memref<1x100xi32, #tpu.memory_space<vmem>> -> memref<100xi32, #tpu.memory_space<vmem>>
    %dma_start3A_27 = arith.constant 0 : i32
    %dma_start3A_28 = arith.constant 0 : i32
    %dma_start3A_29 = tpu.memref_slice %arg3[%dma_start3A_27, %dma_start3A_28] : memref<2000000x64xf32, #tpu.memory_space<hbm>> -> memref<2000000x64xf32, #tpu.memory_space<hbm>>
    tpu.enqueue_indirect_dma source(%dma_start3A_29 : memref<2000000x64xf32, #tpu.memory_space<hbm>>) target(%arg11 : memref<100x64xf32, #tpu.memory_space<vmem>>) offsets(%dma_start3A_26 : memref<100xi32, #tpu.memory_space<vmem>>) semaphore(%arg19 : memref<!tpu.dma_semaphore, #tpu.memory_space<semaphore_mem>>)
    %scan3A = arith.constant 0 : i32
    %scan3A_30 = arith.constant 0 : i32
    %scan3A_31 = arith.constant 32 : i32
    %scan3A_32 = arith.addi %scan3A_30, %scan3A_31 : i32
    %scan3A_33 = arith.constant 1 : i32
    scf.for %scan3A_82 = %scan3A_30 to %scan3A_32 step %scan3A_33  : i32 {
      %mul3A_83 = arith.constant 2 : i32
      %mul3A_84 = arith.muli %mul3A_83, %scan3A_82 : i32
      %add3A_85 = arith.constant 0 : i32
      %add3A_86 = arith.addi %mul3A_84, %add3A_85 : i32
      %add3A_87 = arith.constant 1 : i32
      %add3A_88 = arith.addi %add3A_86, %add3A_87 : i32
      %lt3A = arith.constant 64 : i32
      %lt3A_89 = arith.cmpi slt, %add3A_88, %lt3A : i32
      %convert_element_type3A = arith.extui %lt3A_89 : i1 to i32
      %cond3A = arith.constant 0 : i32
      %cond3A_90 = arith.cmpi ne, %convert_element_type3A, %cond3A : i32
      scf.if %cond3A_90 {
        %ge3A = arith.constant 1 : i32
        %ge3A_343 = arith.cmpi sge, %add3A_86, %ge3A : i32
        %convert_element_type3A_344 = arith.extui %ge3A_343 : i1 to i32
        %cond3A_345 = arith.constant 0 : i32
        %cond3A_346 = arith.cmpi ne, %convert_element_type3A_344, %cond3A_345 : i32
        scf.if %cond3A_346 {
          %dma_wait3A_359 = arith.constant 0 : i32
          %dma_wait3A_360 = arith.constant 0 : i32
          %dma_wait3A_361 = tpu.memref_slice %arg5[%dma_wait3A_359, %dma_wait3A_360] : memref<819200x128xf32, #tpu.memory_space<hbm>> -> memref<100x64xf32, #tpu.memory_space<hbm>>
          %dma_wait3A_362 = arith.constant 0 : i32
          %dma_wait3A_363 = arith.constant 0 : i32
          %dma_wait3A_364 = tpu.memref_slice %arg5[%dma_wait3A_362, %dma_wait3A_363] : memref<819200x128xf32, #tpu.memory_space<hbm>> -> memref<100x64xf32, #tpu.memory_space<hbm>>
          tpu.wait_dma2 semaphore(%arg28 : memref<!tpu.dma_semaphore, #tpu.memory_space<semaphore_mem>>) src(%arg12 : memref<100x64xf32, #tpu.memory_space<vmem>>) dst(%dma_wait3A_364 : memref<100x64xf32, #tpu.memory_space<hbm>>)
        } else {
        }
        %add3A_347 = arith.constant 1 : i32
        %add3A_348 = arith.addi %add3A_86, %add3A_347 : i32
        %mul3A_349 = arith.constant 4 : i32
        %mul3A_350 = arith.muli %add3A_348, %mul3A_349 : i32
        %add3A_351 = arith.constant 0 : i32
        %add3A_352 = arith.addi %mul3A_350, %add3A_351 : i32
        %dma_start3A_353 = arith.constant 0 : i32
        %dma_start3A_354 = tpu.memref_slice %arg6[%add3A_352, %dma_start3A_353] : memref<256x100xi32, #tpu.memory_space<vmem>> -> memref<1x100xi32, #tpu.memory_space<vmem>>
        %dma_start3A_355 = tpu.memref_squeeze %dma_start3A_354 : memref<1x100xi32, #tpu.memory_space<vmem>> -> memref<100xi32, #tpu.memory_space<vmem>>
        %dma_start3A_356 = arith.constant 0 : i32
        %dma_start3A_357 = arith.constant 0 : i32
        %dma_start3A_358 = tpu.memref_slice %arg3[%dma_start3A_356, %dma_start3A_357] : memref<2000000x64xf32, #tpu.memory_space<hbm>> -> memref<2000000x64xf32, #tpu.memory_space<hbm>>
        tpu.enqueue_indirect_dma source(%dma_start3A_358 : memref<2000000x64xf32, #tpu.memory_space<hbm>>) target(%arg12 : memref<100x64xf32, #tpu.memory_space<vmem>>) offsets(%dma_start3A_355 : memref<100xi32, #tpu.memory_space<vmem>>) semaphore(%arg20 : memref<!tpu.dma_semaphore, #tpu.memory_space<semaphore_mem>>)
      } else {
      }
      %add3A_91 = arith.constant 1 : i32
      %add3A_92 = arith.addi %add3A_86, %add3A_91 : i32
      %lt3A_93 = arith.constant 64 : i32
      %lt3A_94 = arith.cmpi slt, %add3A_92, %lt3A_93 : i32
      %convert_element_type3A_95 = arith.extui %lt3A_94 : i1 to i32
      %cond3A_96 = arith.constant 0 : i32
      %cond3A_97 = arith.cmpi ne, %convert_element_type3A_95, %cond3A_96 : i32
      scf.if %cond3A_97 {
        %ge3A = arith.constant 1 : i32
        %ge3A_343 = arith.cmpi sge, %add3A_86, %ge3A : i32
        %convert_element_type3A_344 = arith.extui %ge3A_343 : i1 to i32
        %cond3A_345 = arith.constant 0 : i32
        %cond3A_346 = arith.cmpi ne, %convert_element_type3A_344, %cond3A_345 : i32
        scf.if %cond3A_346 {
          %dma_wait3A_359 = arith.constant 0 : i32
          %dma_wait3A_360 = arith.constant 0 : i32
          %dma_wait3A_361 = tpu.memref_slice %arg5[%dma_wait3A_359, %dma_wait3A_360] : memref<819200x128xf32, #tpu.memory_space<hbm>> -> memref<100x64xf32, #tpu.memory_space<hbm>>
          %dma_wait3A_362 = arith.constant 0 : i32
          %dma_wait3A_363 = arith.constant 0 : i32
          %dma_wait3A_364 = tpu.memref_slice %arg5[%dma_wait3A_362, %dma_wait3A_363] : memref<819200x128xf32, #tpu.memory_space<hbm>> -> memref<100x64xf32, #tpu.memory_space<hbm>>
          tpu.wait_dma2 semaphore(%arg29 : memref<!tpu.dma_semaphore, #tpu.memory_space<semaphore_mem>>) src(%arg13 : memref<100x64xf32, #tpu.memory_space<vmem>>) dst(%dma_wait3A_364 : memref<100x64xf32, #tpu.memory_space<hbm>>)
        } else {
        }
        %add3A_347 = arith.constant 1 : i32
        %add3A_348 = arith.addi %add3A_86, %add3A_347 : i32
        %mul3A_349 = arith.constant 4 : i32
        %mul3A_350 = arith.muli %add3A_348, %mul3A_349 : i32
        %add3A_351 = arith.constant 1 : i32
        %add3A_352 = arith.addi %mul3A_350, %add3A_351 : i32
        %dma_start3A_353 = arith.constant 0 : i32
        %dma_start3A_354 = tpu.memref_slice %arg6[%add3A_352, %dma_start3A_353] : memref<256x100xi32, #tpu.memory_space<vmem>> -> memref<1x100xi32, #tpu.memory_space<vmem>>
        %dma_start3A_355 = tpu.memref_squeeze %dma_start3A_354 : memref<1x100xi32, #tpu.memory_space<vmem>> -> memref<100xi32, #tpu.memory_space<vmem>>
        %dma_start3A_356 = arith.constant 0 : i32
        %dma_start3A_357 = arith.constant 0 : i32
        %dma_start3A_358 = tpu.memref_slice %arg3[%dma_start3A_356, %dma_start3A_357] : memref<2000000x64xf32, #tpu.memory_space<hbm>> -> memref<2000000x64xf32, #tpu.memory_space<hbm>>
        tpu.enqueue_indirect_dma source(%dma_start3A_358 : memref<2000000x64xf32, #tpu.memory_space<hbm>>) target(%arg13 : memref<100x64xf32, #tpu.memory_space<vmem>>) offsets(%dma_start3A_355 : memref<100xi32, #tpu.memory_space<vmem>>) semaphore(%arg21 : memref<!tpu.dma_semaphore, #tpu.memory_space<semaphore_mem>>)
      } else {
      }
      %add3A_98 = arith.constant 1 : i32
      %add3A_99 = arith.addi %add3A_86, %add3A_98 : i32
      %lt3A_100 = arith.constant 64 : i32
      %lt3A_101 = arith.cmpi slt, %add3A_99, %lt3A_100 : i32
      %convert_element_type3A_102 = arith.extui %lt3A_101 : i1 to i32
      %cond3A_103 = arith.constant 0 : i32
      %cond3A_104 = arith.cmpi ne, %convert_element_type3A_102, %cond3A_103 : i32
      scf.if %cond3A_104 {
        %ge3A = arith.constant 1 : i32
        %ge3A_343 = arith.cmpi sge, %add3A_86, %ge3A : i32
        %convert_element_type3A_344 = arith.extui %ge3A_343 : i1 to i32
        %cond3A_345 = arith.constant 0 : i32
        %cond3A_346 = arith.cmpi ne, %convert_element_type3A_344, %cond3A_345 : i32
        scf.if %cond3A_346 {
          %dma_wait3A_359 = arith.constant 0 : i32
          %dma_wait3A_360 = arith.constant 0 : i32
          %dma_wait3A_361 = tpu.memref_slice %arg5[%dma_wait3A_359, %dma_wait3A_360] : memref<819200x128xf32, #tpu.memory_space<hbm>> -> memref<100x64xf32, #tpu.memory_space<hbm>>
          %dma_wait3A_362 = arith.constant 0 : i32
          %dma_wait3A_363 = arith.constant 0 : i32
          %dma_wait3A_364 = tpu.memref_slice %arg5[%dma_wait3A_362, %dma_wait3A_363] : memref<819200x128xf32, #tpu.memory_space<hbm>> -> memref<100x64xf32, #tpu.memory_space<hbm>>
          tpu.wait_dma2 semaphore(%arg30 : memref<!tpu.dma_semaphore, #tpu.memory_space<semaphore_mem>>) src(%arg14 : memref<100x64xf32, #tpu.memory_space<vmem>>) dst(%dma_wait3A_364 : memref<100x64xf32, #tpu.memory_space<hbm>>)
        } else {
        }
        %add3A_347 = arith.constant 1 : i32
        %add3A_348 = arith.addi %add3A_86, %add3A_347 : i32
        %mul3A_349 = arith.constant 4 : i32
        %mul3A_350 = arith.muli %add3A_348, %mul3A_349 : i32
        %add3A_351 = arith.constant 2 : i32
        %add3A_352 = arith.addi %mul3A_350, %add3A_351 : i32
        %dma_start3A_353 = arith.constant 0 : i32
        %dma_start3A_354 = tpu.memref_slice %arg6[%add3A_352, %dma_start3A_353] : memref<256x100xi32, #tpu.memory_space<vmem>> -> memref<1x100xi32, #tpu.memory_space<vmem>>
        %dma_start3A_355 = tpu.memref_squeeze %dma_start3A_354 : memref<1x100xi32, #tpu.memory_space<vmem>> -> memref<100xi32, #tpu.memory_space<vmem>>
        %dma_start3A_356 = arith.constant 0 : i32
        %dma_start3A_357 = arith.constant 0 : i32
        %dma_start3A_358 = tpu.memref_slice %arg3[%dma_start3A_356, %dma_start3A_357] : memref<2000000x64xf32, #tpu.memory_space<hbm>> -> memref<2000000x64xf32, #tpu.memory_space<hbm>>
        tpu.enqueue_indirect_dma source(%dma_start3A_358 : memref<2000000x64xf32, #tpu.memory_space<hbm>>) target(%arg14 : memref<100x64xf32, #tpu.memory_space<vmem>>) offsets(%dma_start3A_355 : memref<100xi32, #tpu.memory_space<vmem>>) semaphore(%arg22 : memref<!tpu.dma_semaphore, #tpu.memory_space<semaphore_mem>>)
      } else {
      }
      %add3A_105 = arith.constant 1 : i32
      %add3A_106 = arith.addi %add3A_86, %add3A_105 : i32
      %lt3A_107 = arith.constant 64 : i32
      %lt3A_108 = arith.cmpi slt, %add3A_106, %lt3A_107 : i32
      %convert_element_type3A_109 = arith.extui %lt3A_108 : i1 to i32
      %cond3A_110 = arith.constant 0 : i32
      %cond3A_111 = arith.cmpi ne, %convert_element_type3A_109, %cond3A_110 : i32
      scf.if %cond3A_111 {
        %ge3A = arith.constant 1 : i32
        %ge3A_343 = arith.cmpi sge, %add3A_86, %ge3A : i32
        %convert_element_type3A_344 = arith.extui %ge3A_343 : i1 to i32
        %cond3A_345 = arith.constant 0 : i32
        %cond3A_346 = arith.cmpi ne, %convert_element_type3A_344, %cond3A_345 : i32
        scf.if %cond3A_346 {
          %dma_wait3A_359 = arith.constant 0 : i32
          %dma_wait3A_360 = arith.constant 0 : i32
          %dma_wait3A_361 = tpu.memref_slice %arg5[%dma_wait3A_359, %dma_wait3A_360] : memref<819200x128xf32, #tpu.memory_space<hbm>> -> memref<100x64xf32, #tpu.memory_space<hbm>>
          %dma_wait3A_362 = arith.constant 0 : i32
          %dma_wait3A_363 = arith.constant 0 : i32
          %dma_wait3A_364 = tpu.memref_slice %arg5[%dma_wait3A_362, %dma_wait3A_363] : memref<819200x128xf32, #tpu.memory_space<hbm>> -> memref<100x64xf32, #tpu.memory_space<hbm>>
          tpu.wait_dma2 semaphore(%arg31 : memref<!tpu.dma_semaphore, #tpu.memory_space<semaphore_mem>>) src(%arg15 : memref<100x64xf32, #tpu.memory_space<vmem>>) dst(%dma_wait3A_364 : memref<100x64xf32, #tpu.memory_space<hbm>>)
        } else {
        }
        %add3A_347 = arith.constant 1 : i32
        %add3A_348 = arith.addi %add3A_86, %add3A_347 : i32
        %mul3A_349 = arith.constant 4 : i32
        %mul3A_350 = arith.muli %add3A_348, %mul3A_349 : i32
        %add3A_351 = arith.constant 3 : i32
        %add3A_352 = arith.addi %mul3A_350, %add3A_351 : i32
        %dma_start3A_353 = arith.constant 0 : i32
        %dma_start3A_354 = tpu.memref_slice %arg6[%add3A_352, %dma_start3A_353] : memref<256x100xi32, #tpu.memory_space<vmem>> -> memref<1x100xi32, #tpu.memory_space<vmem>>
        %dma_start3A_355 = tpu.memref_squeeze %dma_start3A_354 : memref<1x100xi32, #tpu.memory_space<vmem>> -> memref<100xi32, #tpu.memory_space<vmem>>
        %dma_start3A_356 = arith.constant 0 : i32
        %dma_start3A_357 = arith.constant 0 : i32
        %dma_start3A_358 = tpu.memref_slice %arg3[%dma_start3A_356, %dma_start3A_357] : memref<2000000x64xf32, #tpu.memory_space<hbm>> -> memref<2000000x64xf32, #tpu.memory_space<hbm>>
        tpu.enqueue_indirect_dma source(%dma_start3A_358 : memref<2000000x64xf32, #tpu.memory_space<hbm>>) target(%arg15 : memref<100x64xf32, #tpu.memory_space<vmem>>) offsets(%dma_start3A_355 : memref<100xi32, #tpu.memory_space<vmem>>) semaphore(%arg23 : memref<!tpu.dma_semaphore, #tpu.memory_space<semaphore_mem>>)
      } else {
      }
      %dma_wait3A_112 = arith.constant 0 : i32
      %dma_wait3A_113 = arith.constant 0 : i32
      %dma_wait3A_114 = tpu.memref_slice %arg6[%dma_wait3A_112, %dma_wait3A_113] : memref<256x100xi32, #tpu.memory_space<vmem>> -> memref<1x100xi32, #tpu.memory_space<vmem>>
      %dma_wait3A_115 = tpu.memref_squeeze %dma_wait3A_114 : memref<1x100xi32, #tpu.memory_space<vmem>> -> memref<100xi32, #tpu.memory_space<vmem>>
      %dma_wait3A_116 = arith.constant 0 : i32
      %dma_wait3A_117 = arith.constant 0 : i32
      %dma_wait3A_118 = tpu.memref_slice %arg3[%dma_wait3A_116, %dma_wait3A_117] : memref<2000000x64xf32, #tpu.memory_space<hbm>> -> memref<2000000x64xf32, #tpu.memory_space<hbm>>
      tpu.wait_indirect_dma semaphore(%arg16 : memref<!tpu.dma_semaphore, #tpu.memory_space<semaphore_mem>>) src(%dma_wait3A_118 : memref<2000000x64xf32, #tpu.memory_space<hbm>>) dst(%arg8 : memref<100x64xf32, #tpu.memory_space<vmem>>)
      %mul3A_119 = arith.constant 4 : i32
      %mul3A_120 = arith.muli %add3A_86, %mul3A_119 : i32
      %add3A_121 = arith.constant 0 : i32
      %add3A_122 = arith.addi %mul3A_120, %add3A_121 : i32
      %parallel_loop3A = arith.constant 0 : i32
      %parallel_loop3A_123 = arith.constant 100 : i32
      %parallel_loop3A_124 = arith.constant 1 : i32
      scf.for %parallel_loop3A_343 = %parallel_loop3A to %parallel_loop3A_123 step %parallel_loop3A_124  : i32 {
        %parallel_loop3A_344 = arith.constant 0 : i32
        %parallel_loop3A_345 = arith.addi %parallel_loop3A_344, %parallel_loop3A_343 : i32
        %parallel_loop3A_346 = arith.index_cast %parallel_loop3A_343 : i32 to index
        %parallel_loop3A_347 = arith.constant 0 : index
        %parallel_loop3A_348 = tpu.vector_load %arg8[%parallel_loop3A_346, %parallel_loop3A_347] {strides = array<i32>} : memref<100x64xf32, #tpu.memory_space<vmem>>, vector<1x16xf32>,
        %parallel_loop3A_349 = vector.shape_cast %parallel_loop3A_348 : vector<1x16xf32> to vector<16xf32>
        %parallel_loop3A_350 = arith.index_cast %parallel_loop3A_345 : i32 to index
        %parallel_loop3A_351 = arith.constant 0 : index
        %parallel_loop3A_352 = tpu.vector_load %arg7[%parallel_loop3A_350, %parallel_loop3A_351] {strides = array<i32>} : memref<200x64xf32, #tpu.memory_space<vmem>>, vector<1x16xf32>,
        %parallel_loop3A_353 = vector.shape_cast %parallel_loop3A_352 : vector<1x16xf32> to vector<16xf32>
        %parallel_loop3A_354 = arith.addf %parallel_loop3A_349, %parallel_loop3A_353 : vector<16xf32>
        %parallel_loop3A_355 = arith.index_cast %parallel_loop3A_343 : i32 to index
        %parallel_loop3A_356 = arith.constant 0 : index
        %parallel_loop3A_357 = tpu.vector_load %arg8[%parallel_loop3A_355, %parallel_loop3A_356] {strides = array<i32>} : memref<100x64xf32, #tpu.memory_space<vmem>>, vector<1x16xf32>,
        %parallel_loop3A_358 = vector.shape_cast %parallel_loop3A_357 : vector<1x16xf32> to vector<16xf32>
        %parallel_loop3A_359 = vector.shape_cast %parallel_loop3A_354 : vector<16xf32> to vector<1x16xf32>
        tpu.vector_store %arg8[%parallel_loop3A_355, %parallel_loop3A_356], %parallel_loop3A_359 {strides = array<i32>} : memref<100x64xf32, #tpu.memory_space<vmem>>, vector<1x16xf32>,
        %parallel_loop3A_360 = arith.index_cast %parallel_loop3A_343 : i32 to index
        %parallel_loop3A_361 = arith.constant 16 : index
        %parallel_loop3A_362 = tpu.vector_load %arg8[%parallel_loop3A_360, %parallel_loop3A_361] {strides = array<i32>} : memref<100x64xf32, #tpu.memory_space<vmem>>, vector<1x16xf32>,
        %parallel_loop3A_363 = vector.shape_cast %parallel_loop3A_362 : vector<1x16xf32> to vector<16xf32>
        %parallel_loop3A_364 = arith.index_cast %parallel_loop3A_345 : i32 to index
        %parallel_loop3A_365 = arith.constant 16 : index
        %parallel_loop3A_366 = tpu.vector_load %arg7[%parallel_loop3A_364, %parallel_loop3A_365] {strides = array<i32>} : memref<200x64xf32, #tpu.memory_space<vmem>>, vector<1x16xf32>,
        %parallel_loop3A_367 = vector.shape_cast %parallel_loop3A_366 : vector<1x16xf32> to vector<16xf32>
        %parallel_loop3A_368 = arith.addf %parallel_loop3A_363, %parallel_loop3A_367 : vector<16xf32>
        %parallel_loop3A_369 = arith.index_cast %parallel_loop3A_343 : i32 to index
        %parallel_loop3A_370 = arith.constant 16 : index
        %parallel_loop3A_371 = tpu.vector_load %arg8[%parallel_loop3A_369, %parallel_loop3A_370] {strides = array<i32>} : memref<100x64xf32, #tpu.memory_space<vmem>>, vector<1x16xf32>,
        %parallel_loop3A_372 = vector.shape_cast %parallel_loop3A_371 : vector<1x16xf32> to vector<16xf32>
        %parallel_loop3A_373 = vector.shape_cast %parallel_loop3A_368 : vector<16xf32> to vector<1x16xf32>
        tpu.vector_store %arg8[%parallel_loop3A_369, %parallel_loop3A_370], %parallel_loop3A_373 {strides = array<i32>} : memref<100x64xf32, #tpu.memory_space<vmem>>, vector<1x16xf32>,
        %parallel_loop3A_374 = arith.index_cast %parallel_loop3A_343 : i32 to index
        %parallel_loop3A_375 = arith.constant 32 : index
        %parallel_loop3A_376 = tpu.vector_load %arg8[%parallel_loop3A_374, %parallel_loop3A_375] {strides = array<i32>} : memref<100x64xf32, #tpu.memory_space<vmem>>, vector<1x16xf32>,
        %parallel_loop3A_377 = vector.shape_cast %parallel_loop3A_376 : vector<1x16xf32> to vector<16xf32>
        %parallel_loop3A_378 = arith.index_cast %parallel_loop3A_345 : i32 to index
        %parallel_loop3A_379 = arith.constant 32 : index
        %parallel_loop3A_380 = tpu.vector_load %arg7[%parallel_loop3A_378, %parallel_loop3A_379] {strides = array<i32>} : memref<200x64xf32, #tpu.memory_space<vmem>>, vector<1x16xf32>,
        %parallel_loop3A_381 = vector.shape_cast %parallel_loop3A_380 : vector<1x16xf32> to vector<16xf32>
        %parallel_loop3A_382 = arith.addf %parallel_loop3A_377, %parallel_loop3A_381 : vector<16xf32>
        %parallel_loop3A_383 = arith.index_cast %parallel_loop3A_343 : i32 to index
        %parallel_loop3A_384 = arith.constant 32 : index
        %parallel_loop3A_385 = tpu.vector_load %arg8[%parallel_loop3A_383, %parallel_loop3A_384] {strides = array<i32>} : memref<100x64xf32, #tpu.memory_space<vmem>>, vector<1x16xf32>,
        %parallel_loop3A_386 = vector.shape_cast %parallel_loop3A_385 : vector<1x16xf32> to vector<16xf32>
        %parallel_loop3A_387 = vector.shape_cast %parallel_loop3A_382 : vector<16xf32> to vector<1x16xf32>
        tpu.vector_store %arg8[%parallel_loop3A_383, %parallel_loop3A_384], %parallel_loop3A_387 {strides = array<i32>} : memref<100x64xf32, #tpu.memory_space<vmem>>, vector<1x16xf32>,
        %parallel_loop3A_388 = arith.index_cast %parallel_loop3A_343 : i32 to index
        %parallel_loop3A_389 = arith.constant 48 : index
        %parallel_loop3A_390 = tpu.vector_load %arg8[%parallel_loop3A_388, %parallel_loop3A_389] {strides = array<i32>} : memref<100x64xf32, #tpu.memory_space<vmem>>, vector<1x16xf32>,
        %parallel_loop3A_391 = vector.shape_cast %parallel_loop3A_390 : vector<1x16xf32> to vector<16xf32>
        %parallel_loop3A_392 = arith.index_cast %parallel_loop3A_345 : i32 to index
        %parallel_loop3A_393 = arith.constant 48 : index
        %parallel_loop3A_394 = tpu.vector_load %arg7[%parallel_loop3A_392, %parallel_loop3A_393] {strides = array<i32>} : memref<200x64xf32, #tpu.memory_space<vmem>>, vector<1x16xf32>,
        %parallel_loop3A_395 = vector.shape_cast %parallel_loop3A_394 : vector<1x16xf32> to vector<16xf32>
        %parallel_loop3A_396 = arith.addf %parallel_loop3A_391, %parallel_loop3A_395 : vector<16xf32>
        %parallel_loop3A_397 = arith.index_cast %parallel_loop3A_343 : i32 to index
        %parallel_loop3A_398 = arith.constant 48 : index
        %parallel_loop3A_399 = tpu.vector_load %arg8[%parallel_loop3A_397, %parallel_loop3A_398] {strides = array<i32>} : memref<100x64xf32, #tpu.memory_space<vmem>>, vector<1x16xf32>,
        %parallel_loop3A_400 = vector.shape_cast %parallel_loop3A_399 : vector<1x16xf32> to vector<16xf32>
        %parallel_loop3A_401 = vector.shape_cast %parallel_loop3A_396 : vector<16xf32> to vector<1x16xf32>
        tpu.vector_store %arg8[%parallel_loop3A_397, %parallel_loop3A_398], %parallel_loop3A_401 {strides = array<i32>} : memref<100x64xf32, #tpu.memory_space<vmem>>, vector<1x16xf32>,
      } {sc.loop_unroll_factor = 4 : i64, sc.parallel_access}
      %mul3A_125 = arith.constant 4 : i32
      %mul3A_126 = arith.muli %add3A_86, %mul3A_125 : i32
      %add3A_127 = arith.constant 0 : i32
      %add3A_128 = arith.addi %mul3A_126, %add3A_127 : i32
      %add3A_129 = arith.addi %mul3A_2, %add3A_128 : i32
      %mul3A_130 = arith.constant 100 : i32
      %mul3A_131 = arith.muli %add3A_129, %mul3A_130 : i32
      %dma_start3A_132 = arith.constant 0 : i32
      %dma_start3A_133 = tpu.memref_slice %arg5[%mul3A_131, %dma_start3A_132] : memref<819200x128xf32, #tpu.memory_space<hbm>> -> memref<100x64xf32, #tpu.memory_space<hbm>>
      %dma_start3A_134 = arith.constant 0 : i32
      %dma_start3A_135 = tpu.memref_slice %arg5[%mul3A_131, %dma_start3A_134] : memref<819200x128xf32, #tpu.memory_space<hbm>> -> memref<100x64xf32, #tpu.memory_space<hbm>>
      tpu.enqueue_dma source(%arg8 : memref<100x64xf32, #tpu.memory_space<vmem>>) target(%dma_start3A_135 : memref<100x64xf32, #tpu.memory_space<hbm>>) target_semaphore(%arg24 : memref<!tpu.dma_semaphore, #tpu.memory_space<semaphore_mem>>)
      %dma_wait3A_136 = arith.constant 0 : i32
      %dma_wait3A_137 = arith.constant 0 : i32
      %dma_wait3A_138 = tpu.memref_slice %arg6[%dma_wait3A_136, %dma_wait3A_137] : memref<256x100xi32, #tpu.memory_space<vmem>> -> memref<1x100xi32, #tpu.memory_space<vmem>>
      %dma_wait3A_139 = tpu.memref_squeeze %dma_wait3A_138 : memref<1x100xi32, #tpu.memory_space<vmem>> -> memref<100xi32, #tpu.memory_space<vmem>>
      %dma_wait3A_140 = arith.constant 0 : i32
      %dma_wait3A_141 = arith.constant 0 : i32
      %dma_wait3A_142 = tpu.memref_slice %arg3[%dma_wait3A_140, %dma_wait3A_141] : memref<2000000x64xf32, #tpu.memory_space<hbm>> -> memref<2000000x64xf32, #tpu.memory_space<hbm>>
      tpu.wait_indirect_dma semaphore(%arg17 : memref<!tpu.dma_semaphore, #tpu.memory_space<semaphore_mem>>) src(%dma_wait3A_142 : memref<2000000x64xf32, #tpu.memory_space<hbm>>) dst(%arg9 : memref<100x64xf32, #tpu.memory_space<vmem>>)
      %mul3A_143 = arith.constant 4 : i32
      %mul3A_144 = arith.muli %add3A_86, %mul3A_143 : i32
      %add3A_145 = arith.constant 1 : i32
      %add3A_146 = arith.addi %mul3A_144, %add3A_145 : i32
      %parallel_loop3A_147 = arith.constant 0 : i32
      %parallel_loop3A_148 = arith.constant 100 : i32
      %parallel_loop3A_149 = arith.constant 1 : i32
      scf.for %parallel_loop3A_343 = %parallel_loop3A_147 to %parallel_loop3A_148 step %parallel_loop3A_149  : i32 {
        %parallel_loop3A_344 = arith.constant 100 : i32
        %parallel_loop3A_345 = arith.addi %parallel_loop3A_344, %parallel_loop3A_343 : i32
        %parallel_loop3A_346 = arith.index_cast %parallel_loop3A_343 : i32 to index
        %parallel_loop3A_347 = arith.constant 0 : index
        %parallel_loop3A_348 = tpu.vector_load %arg9[%parallel_loop3A_346, %parallel_loop3A_347] {strides = array<i32>} : memref<100x64xf32, #tpu.memory_space<vmem>>, vector<1x16xf32>,
        %parallel_loop3A_349 = vector.shape_cast %parallel_loop3A_348 : vector<1x16xf32> to vector<16xf32>
        %parallel_loop3A_350 = arith.index_cast %parallel_loop3A_345 : i32 to index
        %parallel_loop3A_351 = arith.constant 0 : index
        %parallel_loop3A_352 = tpu.vector_load %arg7[%parallel_loop3A_350, %parallel_loop3A_351] {strides = array<i32>} : memref<200x64xf32, #tpu.memory_space<vmem>>, vector<1x16xf32>,
        %parallel_loop3A_353 = vector.shape_cast %parallel_loop3A_352 : vector<1x16xf32> to vector<16xf32>
        %parallel_loop3A_354 = arith.addf %parallel_loop3A_349, %parallel_loop3A_353 : vector<16xf32>
        %parallel_loop3A_355 = arith.index_cast %parallel_loop3A_343 : i32 to index
        %parallel_loop3A_356 = arith.constant 0 : index
        %parallel_loop3A_357 = tpu.vector_load %arg9[%parallel_loop3A_355, %parallel_loop3A_356] {strides = array<i32>} : memref<100x64xf32, #tpu.memory_space<vmem>>, vector<1x16xf32>,
        %parallel_loop3A_358 = vector.shape_cast %parallel_loop3A_357 : vector<1x16xf32> to vector<16xf32>
        %parallel_loop3A_359 = vector.shape_cast %parallel_loop3A_354 : vector<16xf32> to vector<1x16xf32>
        tpu.vector_store %arg9[%parallel_loop3A_355, %parallel_loop3A_356], %parallel_loop3A_359 {strides = array<i32>} : memref<100x64xf32, #tpu.memory_space<vmem>>, vector<1x16xf32>,
        %parallel_loop3A_360 = arith.index_cast %parallel_loop3A_343 : i32 to index
        %parallel_loop3A_361 = arith.constant 16 : index
        %parallel_loop3A_362 = tpu.vector_load %arg9[%parallel_loop3A_360, %parallel_loop3A_361] {strides = array<i32>} : memref<100x64xf32, #tpu.memory_space<vmem>>, vector<1x16xf32>,
        %parallel_loop3A_363 = vector.shape_cast %parallel_loop3A_362 : vector<1x16xf32> to vector<16xf32>
        %parallel_loop3A_364 = arith.index_cast %parallel_loop3A_345 : i32 to index
        %parallel_loop3A_365 = arith.constant 16 : index
        %parallel_loop3A_366 = tpu.vector_load %arg7[%parallel_loop3A_364, %parallel_loop3A_365] {strides = array<i32>} : memref<200x64xf32, #tpu.memory_space<vmem>>, vector<1x16xf32>,
        %parallel_loop3A_367 = vector.shape_cast %parallel_loop3A_366 : vector<1x16xf32> to vector<16xf32>
        %parallel_loop3A_368 = arith.addf %parallel_loop3A_363, %parallel_loop3A_367 : vector<16xf32>
        %parallel_loop3A_369 = arith.index_cast %parallel_loop3A_343 : i32 to index
        %parallel_loop3A_370 = arith.constant 16 : index
        %parallel_loop3A_371 = tpu.vector_load %arg9[%parallel_loop3A_369, %parallel_loop3A_370] {strides = array<i32>} : memref<100x64xf32, #tpu.memory_space<vmem>>, vector<1x16xf32>,
        %parallel_loop3A_372 = vector.shape_cast %parallel_loop3A_371 : vector<1x16xf32> to vector<16xf32>
        %parallel_loop3A_373 = vector.shape_cast %parallel_loop3A_368 : vector<16xf32> to vector<1x16xf32>
        tpu.vector_store %arg9[%parallel_loop3A_369, %parallel_loop3A_370], %parallel_loop3A_373 {strides = array<i32>} : memref<100x64xf32, #tpu.memory_space<vmem>>, vector<1x16xf32>,
        %parallel_loop3A_374 = arith.index_cast %parallel_loop3A_343 : i32 to index
        %parallel_loop3A_375 = arith.constant 32 : index
        %parallel_loop3A_376 = tpu.vector_load %arg9[%parallel_loop3A_374, %parallel_loop3A_375] {strides = array<i32>} : memref<100x64xf32, #tpu.memory_space<vmem>>, vector<1x16xf32>,
        %parallel_loop3A_377 = vector.shape_cast %parallel_loop3A_376 : vector<1x16xf32> to vector<16xf32>
        %parallel_loop3A_378 = arith.index_cast %parallel_loop3A_345 : i32 to index
        %parallel_loop3A_379 = arith.constant 32 : index
        %parallel_loop3A_380 = tpu.vector_load %arg7[%parallel_loop3A_378, %parallel_loop3A_379] {strides = array<i32>} : memref<200x64xf32, #tpu.memory_space<vmem>>, vector<1x16xf32>,
        %parallel_loop3A_381 = vector.shape_cast %parallel_loop3A_380 : vector<1x16xf32> to vector<16xf32>
        %parallel_loop3A_382 = arith.addf %parallel_loop3A_377, %parallel_loop3A_381 : vector<16xf32>
        %parallel_loop3A_383 = arith.index_cast %parallel_loop3A_343 : i32 to index
        %parallel_loop3A_384 = arith.constant 32 : index
        %parallel_loop3A_385 = tpu.vector_load %arg9[%parallel_loop3A_383, %parallel_loop3A_384] {strides = array<i32>} : memref<100x64xf32, #tpu.memory_space<vmem>>, vector<1x16xf32>,
        %parallel_loop3A_386 = vector.shape_cast %parallel_loop3A_385 : vector<1x16xf32> to vector<16xf32>
        %parallel_loop3A_387 = vector.shape_cast %parallel_loop3A_382 : vector<16xf32> to vector<1x16xf32>
        tpu.vector_store %arg9[%parallel_loop3A_383, %parallel_loop3A_384], %parallel_loop3A_387 {strides = array<i32>} : memref<100x64xf32, #tpu.memory_space<vmem>>, vector<1x16xf32>,
        %parallel_loop3A_388 = arith.index_cast %parallel_loop3A_343 : i32 to index
        %parallel_loop3A_389 = arith.constant 48 : index
        %parallel_loop3A_390 = tpu.vector_load %arg9[%parallel_loop3A_388, %parallel_loop3A_389] {strides = array<i32>} : memref<100x64xf32, #tpu.memory_space<vmem>>, vector<1x16xf32>,
        %parallel_loop3A_391 = vector.shape_cast %parallel_loop3A_390 : vector<1x16xf32> to vector<16xf32>
        %parallel_loop3A_392 = arith.index_cast %parallel_loop3A_345 : i32 to index
        %parallel_loop3A_393 = arith.constant 48 : index
        %parallel_loop3A_394 = tpu.vector_load %arg7[%parallel_loop3A_392, %parallel_loop3A_393] {strides = array<i32>} : memref<200x64xf32, #tpu.memory_space<vmem>>, vector<1x16xf32>,
        %parallel_loop3A_395 = vector.shape_cast %parallel_loop3A_394 : vector<1x16xf32> to vector<16xf32>
        %parallel_loop3A_396 = arith.addf %parallel_loop3A_391, %parallel_loop3A_395 : vector<16xf32>
        %parallel_loop3A_397 = arith.index_cast %parallel_loop3A_343 : i32 to index
        %parallel_loop3A_398 = arith.constant 48 : index
        %parallel_loop3A_399 = tpu.vector_load %arg9[%parallel_loop3A_397, %parallel_loop3A_398] {strides = array<i32>} : memref<100x64xf32, #tpu.memory_space<vmem>>, vector<1x16xf32>,
        %parallel_loop3A_400 = vector.shape_cast %parallel_loop3A_399 : vector<1x16xf32> to vector<16xf32>
        %parallel_loop3A_401 = vector.shape_cast %parallel_loop3A_396 : vector<16xf32> to vector<1x16xf32>
        tpu.vector_store %arg9[%parallel_loop3A_397, %parallel_loop3A_398], %parallel_loop3A_401 {strides = array<i32>} : memref<100x64xf32, #tpu.memory_space<vmem>>, vector<1x16xf32>,
      } {sc.loop_unroll_factor = 4 : i64, sc.parallel_access}
      %mul3A_150 = arith.constant 4 : i32
      %mul3A_151 = arith.muli %add3A_86, %mul3A_150 : i32
      %add3A_152 = arith.constant 1 : i32
      %add3A_153 = arith.addi %mul3A_151, %add3A_152 : i32
      %add3A_154 = arith.addi %mul3A_2, %add3A_153 : i32
      %mul3A_155 = arith.constant 100 : i32
      %mul3A_156 = arith.muli %add3A_154, %mul3A_155 : i32
      %dma_start3A_157 = arith.constant 0 : i32
      %dma_start3A_158 = tpu.memref_slice %arg5[%mul3A_156, %dma_start3A_157] : memref<819200x128xf32, #tpu.memory_space<hbm>> -> memref<100x64xf32, #tpu.memory_space<hbm>>
      %dma_start3A_159 = arith.constant 0 : i32
      %dma_start3A_160 = tpu.memref_slice %arg5[%mul3A_156, %dma_start3A_159] : memref<819200x128xf32, #tpu.memory_space<hbm>> -> memref<100x64xf32, #tpu.memory_space<hbm>>
      tpu.enqueue_dma source(%arg9 : memref<100x64xf32, #tpu.memory_space<vmem>>) target(%dma_start3A_160 : memref<100x64xf32, #tpu.memory_space<hbm>>) target_semaphore(%arg25 : memref<!tpu.dma_semaphore, #tpu.memory_space<semaphore_mem>>)
      %dma_wait3A_161 = arith.constant 0 : i32
      %dma_wait3A_162 = arith.constant 0 : i32
      %dma_wait3A_163 = tpu.memref_slice %arg6[%dma_wait3A_161, %dma_wait3A_162] : memref<256x100xi32, #tpu.memory_space<vmem>> -> memref<1x100xi32, #tpu.memory_space<vmem>>
      %dma_wait3A_164 = tpu.memref_squeeze %dma_wait3A_163 : memref<1x100xi32, #tpu.memory_space<vmem>> -> memref<100xi32, #tpu.memory_space<vmem>>
      %dma_wait3A_165 = arith.constant 0 : i32
      %dma_wait3A_166 = arith.constant 0 : i32
      %dma_wait3A_167 = tpu.memref_slice %arg3[%dma_wait3A_165, %dma_wait3A_166] : memref<2000000x64xf32, #tpu.memory_space<hbm>> -> memref<2000000x64xf32, #tpu.memory_space<hbm>>
      tpu.wait_indirect_dma semaphore(%arg18 : memref<!tpu.dma_semaphore, #tpu.memory_space<semaphore_mem>>) src(%dma_wait3A_167 : memref<2000000x64xf32, #tpu.memory_space<hbm>>) dst(%arg10 : memref<100x64xf32, #tpu.memory_space<vmem>>)
      %mul3A_168 = arith.constant 4 : i32
      %mul3A_169 = arith.muli %add3A_86, %mul3A_168 : i32
      %add3A_170 = arith.constant 2 : i32
      %add3A_171 = arith.addi %mul3A_169, %add3A_170 : i32
      %parallel_loop3A_172 = arith.constant 0 : i32
      %parallel_loop3A_173 = arith.constant 100 : i32
      %parallel_loop3A_174 = arith.constant 1 : i32
      scf.for %parallel_loop3A_343 = %parallel_loop3A_172 to %parallel_loop3A_173 step %parallel_loop3A_174  : i32 {
        %parallel_loop3A_344 = arith.constant 0 : i32
        %parallel_loop3A_345 = arith.addi %parallel_loop3A_344, %parallel_loop3A_343 : i32
        %parallel_loop3A_346 = arith.index_cast %parallel_loop3A_343 : i32 to index
        %parallel_loop3A_347 = arith.constant 0 : index
        %parallel_loop3A_348 = tpu.vector_load %arg10[%parallel_loop3A_346, %parallel_loop3A_347] {strides = array<i32>} : memref<100x64xf32, #tpu.memory_space<vmem>>, vector<1x16xf32>,
        %parallel_loop3A_349 = vector.shape_cast %parallel_loop3A_348 : vector<1x16xf32> to vector<16xf32>
        %parallel_loop3A_350 = arith.index_cast %parallel_loop3A_345 : i32 to index
        %parallel_loop3A_351 = arith.constant 0 : index
        %parallel_loop3A_352 = tpu.vector_load %arg7[%parallel_loop3A_350, %parallel_loop3A_351] {strides = array<i32>} : memref<200x64xf32, #tpu.memory_space<vmem>>, vector<1x16xf32>,
        %parallel_loop3A_353 = vector.shape_cast %parallel_loop3A_352 : vector<1x16xf32> to vector<16xf32>
        %parallel_loop3A_354 = arith.addf %parallel_loop3A_349, %parallel_loop3A_353 : vector<16xf32>
        %parallel_loop3A_355 = arith.index_cast %parallel_loop3A_343 : i32 to index
        %parallel_loop3A_356 = arith.constant 0 : index
        %parallel_loop3A_357 = tpu.vector_load %arg10[%parallel_loop3A_355, %parallel_loop3A_356] {strides = array<i32>} : memref<100x64xf32, #tpu.memory_space<vmem>>, vector<1x16xf32>,
        %parallel_loop3A_358 = vector.shape_cast %parallel_loop3A_357 : vector<1x16xf32> to vector<16xf32>
        %parallel_loop3A_359 = vector.shape_cast %parallel_loop3A_354 : vector<16xf32> to vector<1x16xf32>
        tpu.vector_store %arg10[%parallel_loop3A_355, %parallel_loop3A_356], %parallel_loop3A_359 {strides = array<i32>} : memref<100x64xf32, #tpu.memory_space<vmem>>, vector<1x16xf32>,
        %parallel_loop3A_360 = arith.index_cast %parallel_loop3A_343 : i32 to index
        %parallel_loop3A_361 = arith.constant 16 : index
        %parallel_loop3A_362 = tpu.vector_load %arg10[%parallel_loop3A_360, %parallel_loop3A_361] {strides = array<i32>} : memref<100x64xf32, #tpu.memory_space<vmem>>, vector<1x16xf32>,
        %parallel_loop3A_363 = vector.shape_cast %parallel_loop3A_362 : vector<1x16xf32> to vector<16xf32>
        %parallel_loop3A_364 = arith.index_cast %parallel_loop3A_345 : i32 to index
        %parallel_loop3A_365 = arith.constant 16 : index
        %parallel_loop3A_366 = tpu.vector_load %arg7[%parallel_loop3A_364, %parallel_loop3A_365] {strides = array<i32>} : memref<200x64xf32, #tpu.memory_space<vmem>>, vector<1x16xf32>,
        %parallel_loop3A_367 = vector.shape_cast %parallel_loop3A_366 : vector<1x16xf32> to vector<16xf32>
        %parallel_loop3A_368 = arith.addf %parallel_loop3A_363, %parallel_loop3A_367 : vector<16xf32>
        %parallel_loop3A_369 = arith.index_cast %parallel_loop3A_343 : i32 to index
        %parallel_loop3A_370 = arith.constant 16 : index
        %parallel_loop3A_371 = tpu.vector_load %arg10[%parallel_loop3A_369, %parallel_loop3A_370] {strides = array<i32>} : memref<100x64xf32, #tpu.memory_space<vmem>>, vector<1x16xf32>,
        %parallel_loop3A_372 = vector.shape_cast %parallel_loop3A_371 : vector<1x16xf32> to vector<16xf32>
        %parallel_loop3A_373 = vector.shape_cast %parallel_loop3A_368 : vector<16xf32> to vector<1x16xf32>
        tpu.vector_store %arg10[%parallel_loop3A_369, %parallel_loop3A_370], %parallel_loop3A_373 {strides = array<i32>} : memref<100x64xf32, #tpu.memory_space<vmem>>, vector<1x16xf32>,
        %parallel_loop3A_374 = arith.index_cast %parallel_loop3A_343 : i32 to index
        %parallel_loop3A_375 = arith.constant 32 : index
        %parallel_loop3A_376 = tpu.vector_load %arg10[%parallel_loop3A_374, %parallel_loop3A_375] {strides = array<i32>} : memref<100x64xf32, #tpu.memory_space<vmem>>, vector<1x16xf32>,
        %parallel_loop3A_377 = vector.shape_cast %parallel_loop3A_376 : vector<1x16xf32> to vector<16xf32>
        %parallel_loop3A_378 = arith.index_cast %parallel_loop3A_345 : i32 to index
        %parallel_loop3A_379 = arith.constant 32 : index
        %parallel_loop3A_380 = tpu.vector_load %arg7[%parallel_loop3A_378, %parallel_loop3A_379] {strides = array<i32>} : memref<200x64xf32, #tpu.memory_space<vmem>>, vector<1x16xf32>,
        %parallel_loop3A_381 = vector.shape_cast %parallel_loop3A_380 : vector<1x16xf32> to vector<16xf32>
        %parallel_loop3A_382 = arith.addf %parallel_loop3A_377, %parallel_loop3A_381 : vector<16xf32>
        %parallel_loop3A_383 = arith.index_cast %parallel_loop3A_343 : i32 to index
        %parallel_loop3A_384 = arith.constant 32 : index
        %parallel_loop3A_385 = tpu.vector_load %arg10[%parallel_loop3A_383, %parallel_loop3A_384] {strides = array<i32>} : memref<100x64xf32, #tpu.memory_space<vmem>>, vector<1x16xf32>,
        %parallel_loop3A_386 = vector.shape_cast %parallel_loop3A_385 : vector<1x16xf32> to vector<16xf32>
        %parallel_loop3A_387 = vector.shape_cast %parallel_loop3A_382 : vector<16xf32> to vector<1x16xf32>
        tpu.vector_store %arg10[%parallel_loop3A_383, %parallel_loop3A_384], %parallel_loop3A_387 {strides = array<i32>} : memref<100x64xf32, #tpu.memory_space<vmem>>, vector<1x16xf32>,
        %parallel_loop3A_388 = arith.index_cast %parallel_loop3A_343 : i32 to index
        %parallel_loop3A_389 = arith.constant 48 : index
        %parallel_loop3A_390 = tpu.vector_load %arg10[%parallel_loop3A_388, %parallel_loop3A_389] {strides = array<i32>} : memref<100x64xf32, #tpu.memory_space<vmem>>, vector<1x16xf32>,
        %parallel_loop3A_391 = vector.shape_cast %parallel_loop3A_390 : vector<1x16xf32> to vector<16xf32>
        %parallel_loop3A_392 = arith.index_cast %parallel_loop3A_345 : i32 to index
        %parallel_loop3A_393 = arith.constant 48 : index
        %parallel_loop3A_394 = tpu.vector_load %arg7[%parallel_loop3A_392, %parallel_loop3A_393] {strides = array<i32>} : memref<200x64xf32, #tpu.memory_space<vmem>>, vector<1x16xf32>,
        %parallel_loop3A_395 = vector.shape_cast %parallel_loop3A_394 : vector<1x16xf32> to vector<16xf32>
        %parallel_loop3A_396 = arith.addf %parallel_loop3A_391, %parallel_loop3A_395 : vector<16xf32>
        %parallel_loop3A_397 = arith.index_cast %parallel_loop3A_343 : i32 to index
        %parallel_loop3A_398 = arith.constant 48 : index
        %parallel_loop3A_399 = tpu.vector_load %arg10[%parallel_loop3A_397, %parallel_loop3A_398] {strides = array<i32>} : memref<100x64xf32, #tpu.memory_space<vmem>>, vector<1x16xf32>,
        %parallel_loop3A_400 = vector.shape_cast %parallel_loop3A_399 : vector<1x16xf32> to vector<16xf32>
        %parallel_loop3A_401 = vector.shape_cast %parallel_loop3A_396 : vector<16xf32> to vector<1x16xf32>
        tpu.vector_store %arg10[%parallel_loop3A_397, %parallel_loop3A_398], %parallel_loop3A_401 {strides = array<i32>} : memref<100x64xf32, #tpu.memory_space<vmem>>, vector<1x16xf32>,
      } {sc.loop_unroll_factor = 4 : i64, sc.parallel_access}
      %mul3A_175 = arith.constant 4 : i32
      %mul3A_176 = arith.muli %add3A_86, %mul3A_175 : i32
      %add3A_177 = arith.constant 2 : i32
      %add3A_178 = arith.addi %mul3A_176, %add3A_177 : i32
      %add3A_179 = arith.addi %mul3A_2, %add3A_178 : i32
      %mul3A_180 = arith.constant 100 : i32
      %mul3A_181 = arith.muli %add3A_179, %mul3A_180 : i32
      %dma_start3A_182 = arith.constant 0 : i32
      %dma_start3A_183 = tpu.memref_slice %arg5[%mul3A_181, %dma_start3A_182] : memref<819200x128xf32, #tpu.memory_space<hbm>> -> memref<100x64xf32, #tpu.memory_space<hbm>>
      %dma_start3A_184 = arith.constant 0 : i32
      %dma_start3A_185 = tpu.memref_slice %arg5[%mul3A_181, %dma_start3A_184] : memref<819200x128xf32, #tpu.memory_space<hbm>> -> memref<100x64xf32, #tpu.memory_space<hbm>>
      tpu.enqueue_dma source(%arg10 : memref<100x64xf32, #tpu.memory_space<vmem>>) target(%dma_start3A_185 : memref<100x64xf32, #tpu.memory_space<hbm>>) target_semaphore(%arg26 : memref<!tpu.dma_semaphore, #tpu.memory_space<semaphore_mem>>)
      %dma_wait3A_186 = arith.constant 0 : i32
      %dma_wait3A_187 = arith.constant 0 : i32
      %dma_wait3A_188 = tpu.memref_slice %arg6[%dma_wait3A_186, %dma_wait3A_187] : memref<256x100xi32, #tpu.memory_space<vmem>> -> memref<1x100xi32, #tpu.memory_space<vmem>>
      %dma_wait3A_189 = tpu.memref_squeeze %dma_wait3A_188 : memref<1x100xi32, #tpu.memory_space<vmem>> -> memref<100xi32, #tpu.memory_space<vmem>>
      %dma_wait3A_190 = arith.constant 0 : i32
      %dma_wait3A_191 = arith.constant 0 : i32
      %dma_wait3A_192 = tpu.memref_slice %arg3[%dma_wait3A_190, %dma_wait3A_191] : memref<2000000x64xf32, #tpu.memory_space<hbm>> -> memref<2000000x64xf32, #tpu.memory_space<hbm>>
      tpu.wait_indirect_dma semaphore(%arg19 : memref<!tpu.dma_semaphore, #tpu.memory_space<semaphore_mem>>) src(%dma_wait3A_192 : memref<2000000x64xf32, #tpu.memory_space<hbm>>) dst(%arg11 : memref<100x64xf32, #tpu.memory_space<vmem>>)
      %mul3A_193 = arith.constant 4 : i32
      %mul3A_194 = arith.muli %add3A_86, %mul3A_193 : i32
      %add3A_195 = arith.constant 3 : i32
      %add3A_196 = arith.addi %mul3A_194, %add3A_195 : i32
      %parallel_loop3A_197 = arith.constant 0 : i32
      %parallel_loop3A_198 = arith.constant 100 : i32
      %parallel_loop3A_199 = arith.constant 1 : i32
      scf.for %parallel_loop3A_343 = %parallel_loop3A_197 to %parallel_loop3A_198 step %parallel_loop3A_199  : i32 {
        %parallel_loop3A_344 = arith.constant 100 : i32
        %parallel_loop3A_345 = arith.addi %parallel_loop3A_344, %parallel_loop3A_343 : i32
        %parallel_loop3A_346 = arith.index_cast %parallel_loop3A_343 : i32 to index
        %parallel_loop3A_347 = arith.constant 0 : index
        %parallel_loop3A_348 = tpu.vector_load %arg11[%parallel_loop3A_346, %parallel_loop3A_347] {strides = array<i32>} : memref<100x64xf32, #tpu.memory_space<vmem>>, vector<1x16xf32>,
        %parallel_loop3A_349 = vector.shape_cast %parallel_loop3A_348 : vector<1x16xf32> to vector<16xf32>
        %parallel_loop3A_350 = arith.index_cast %parallel_loop3A_345 : i32 to index
        %parallel_loop3A_351 = arith.constant 0 : index
        %parallel_loop3A_352 = tpu.vector_load %arg7[%parallel_loop3A_350, %parallel_loop3A_351] {strides = array<i32>} : memref<200x64xf32, #tpu.memory_space<vmem>>, vector<1x16xf32>,
        %parallel_loop3A_353 = vector.shape_cast %parallel_loop3A_352 : vector<1x16xf32> to vector<16xf32>
        %parallel_loop3A_354 = arith.addf %parallel_loop3A_349, %parallel_loop3A_353 : vector<16xf32>
        %parallel_loop3A_355 = arith.index_cast %parallel_loop3A_343 : i32 to index
        %parallel_loop3A_356 = arith.constant 0 : index
        %parallel_loop3A_357 = tpu.vector_load %arg11[%parallel_loop3A_355, %parallel_loop3A_356] {strides = array<i32>} : memref<100x64xf32, #tpu.memory_space<vmem>>, vector<1x16xf32>,
        %parallel_loop3A_358 = vector.shape_cast %parallel_loop3A_357 : vector<1x16xf32> to vector<16xf32>
        %parallel_loop3A_359 = vector.shape_cast %parallel_loop3A_354 : vector<16xf32> to vector<1x16xf32>
        tpu.vector_store %arg11[%parallel_loop3A_355, %parallel_loop3A_356], %parallel_loop3A_359 {strides = array<i32>} : memref<100x64xf32, #tpu.memory_space<vmem>>, vector<1x16xf32>,
        %parallel_loop3A_360 = arith.index_cast %parallel_loop3A_343 : i32 to index
        %parallel_loop3A_361 = arith.constant 16 : index
        %parallel_loop3A_362 = tpu.vector_load %arg11[%parallel_loop3A_360, %parallel_loop3A_361] {strides = array<i32>} : memref<100x64xf32, #tpu.memory_space<vmem>>, vector<1x16xf32>,
        %parallel_loop3A_363 = vector.shape_cast %parallel_loop3A_362 : vector<1x16xf32> to vector<16xf32>
        %parallel_loop3A_364 = arith.index_cast %parallel_loop3A_345 : i32 to index
        %parallel_loop3A_365 = arith.constant 16 : index
        %parallel_loop3A_366 = tpu.vector_load %arg7[%parallel_loop3A_364, %parallel_loop3A_365] {strides = array<i32>} : memref<200x64xf32, #tpu.memory_space<vmem>>, vector<1x16xf32>,
        %parallel_loop3A_367 = vector.shape_cast %parallel_loop3A_366 : vector<1x16xf32> to vector<16xf32>
        %parallel_loop3A_368 = arith.addf %parallel_loop3A_363, %parallel_loop3A_367 : vector<16xf32>
        %parallel_loop3A_369 = arith.index_cast %parallel_loop3A_343 : i32 to index
        %parallel_loop3A_370 = arith.constant 16 : index
        %parallel_loop3A_371 = tpu.vector_load %arg11[%parallel_loop3A_369, %parallel_loop3A_370] {strides = array<i32>} : memref<100x64xf32, #tpu.memory_space<vmem>>, vector<1x16xf32>,
        %parallel_loop3A_372 = vector.shape_cast %parallel_loop3A_371 : vector<1x16xf32> to vector<16xf32>
        %parallel_loop3A_373 = vector.shape_cast %parallel_loop3A_368 : vector<16xf32> to vector<1x16xf32>
        tpu.vector_store %arg11[%parallel_loop3A_369, %parallel_loop3A_370], %parallel_loop3A_373 {strides = array<i32>} : memref<100x64xf32, #tpu.memory_space<vmem>>, vector<1x16xf32>,
        %parallel_loop3A_374 = arith.index_cast %parallel_loop3A_343 : i32 to index
        %parallel_loop3A_375 = arith.constant 32 : index
        %parallel_loop3A_376 = tpu.vector_load %arg11[%parallel_loop3A_374, %parallel_loop3A_375] {strides = array<i32>} : memref<100x64xf32, #tpu.memory_space<vmem>>, vector<1x16xf32>,
        %parallel_loop3A_377 = vector.shape_cast %parallel_loop3A_376 : vector<1x16xf32> to vector<16xf32>
        %parallel_loop3A_378 = arith.index_cast %parallel_loop3A_345 : i32 to index
        %parallel_loop3A_379 = arith.constant 32 : index
        %parallel_loop3A_380 = tpu.vector_load %arg7[%parallel_loop3A_378, %parallel_loop3A_379] {strides = array<i32>} : memref<200x64xf32, #tpu.memory_space<vmem>>, vector<1x16xf32>,
        %parallel_loop3A_381 = vector.shape_cast %parallel_loop3A_380 : vector<1x16xf32> to vector<16xf32>
        %parallel_loop3A_382 = arith.addf %parallel_loop3A_377, %parallel_loop3A_381 : vector<16xf32>
        %parallel_loop3A_383 = arith.index_cast %parallel_loop3A_343 : i32 to index
        %parallel_loop3A_384 = arith.constant 32 : index
        %parallel_loop3A_385 = tpu.vector_load %arg11[%parallel_loop3A_383, %parallel_loop3A_384] {strides = array<i32>} : memref<100x64xf32, #tpu.memory_space<vmem>>, vector<1x16xf32>,
        %parallel_loop3A_386 = vector.shape_cast %parallel_loop3A_385 : vector<1x16xf32> to vector<16xf32>
        %parallel_loop3A_387 = vector.shape_cast %parallel_loop3A_382 : vector<16xf32> to vector<1x16xf32>
        tpu.vector_store %arg11[%parallel_loop3A_383, %parallel_loop3A_384], %parallel_loop3A_387 {strides = array<i32>} : memref<100x64xf32, #tpu.memory_space<vmem>>, vector<1x16xf32>,
        %parallel_loop3A_388 = arith.index_cast %parallel_loop3A_343 : i32 to index
        %parallel_loop3A_389 = arith.constant 48 : index
        %parallel_loop3A_390 = tpu.vector_load %arg11[%parallel_loop3A_388, %parallel_loop3A_389] {strides = array<i32>} : memref<100x64xf32, #tpu.memory_space<vmem>>, vector<1x16xf32>,
        %parallel_loop3A_391 = vector.shape_cast %parallel_loop3A_390 : vector<1x16xf32> to vector<16xf32>
        %parallel_loop3A_392 = arith.index_cast %parallel_loop3A_345 : i32 to index
        %parallel_loop3A_393 = arith.constant 48 : index
        %parallel_loop3A_394 = tpu.vector_load %arg7[%parallel_loop3A_392, %parallel_loop3A_393] {strides = array<i32>} : memref<200x64xf32, #tpu.memory_space<vmem>>, vector<1x16xf32>,
        %parallel_loop3A_395 = vector.shape_cast %parallel_loop3A_394 : vector<1x16xf32> to vector<16xf32>
        %parallel_loop3A_396 = arith.addf %parallel_loop3A_391, %parallel_loop3A_395 : vector<16xf32>
        %parallel_loop3A_397 = arith.index_cast %parallel_loop3A_343 : i32 to index
        %parallel_loop3A_398 = arith.constant 48 : index
        %parallel_loop3A_399 = tpu.vector_load %arg11[%parallel_loop3A_397, %parallel_loop3A_398] {strides = array<i32>} : memref<100x64xf32, #tpu.memory_space<vmem>>, vector<1x16xf32>,
        %parallel_loop3A_400 = vector.shape_cast %parallel_loop3A_399 : vector<1x16xf32> to vector<16xf32>
        %parallel_loop3A_401 = vector.shape_cast %parallel_loop3A_396 : vector<16xf32> to vector<1x16xf32>
        tpu.vector_store %arg11[%parallel_loop3A_397, %parallel_loop3A_398], %parallel_loop3A_401 {strides = array<i32>} : memref<100x64xf32, #tpu.memory_space<vmem>>, vector<1x16xf32>,
      } {sc.loop_unroll_factor = 4 : i64, sc.parallel_access}
      %mul3A_200 = arith.constant 4 : i32
      %mul3A_201 = arith.muli %add3A_86, %mul3A_200 : i32
      %add3A_202 = arith.constant 3 : i32
      %add3A_203 = arith.addi %mul3A_201, %add3A_202 : i32
      %add3A_204 = arith.addi %mul3A_2, %add3A_203 : i32
      %mul3A_205 = arith.constant 100 : i32
      %mul3A_206 = arith.muli %add3A_204, %mul3A_205 : i32
      %dma_start3A_207 = arith.constant 0 : i32
      %dma_start3A_208 = tpu.memref_slice %arg5[%mul3A_206, %dma_start3A_207] : memref<819200x128xf32, #tpu.memory_space<hbm>> -> memref<100x64xf32, #tpu.memory_space<hbm>>
      %dma_start3A_209 = arith.constant 0 : i32
      %dma_start3A_210 = tpu.memref_slice %arg5[%mul3A_206, %dma_start3A_209] : memref<819200x128xf32, #tpu.memory_space<hbm>> -> memref<100x64xf32, #tpu.memory_space<hbm>>
      tpu.enqueue_dma source(%arg11 : memref<100x64xf32, #tpu.memory_space<vmem>>) target(%dma_start3A_210 : memref<100x64xf32, #tpu.memory_space<hbm>>) target_semaphore(%arg27 : memref<!tpu.dma_semaphore, #tpu.memory_space<semaphore_mem>>)
      %mul3A_211 = arith.constant 2 : i32
      %mul3A_212 = arith.muli %mul3A_211, %scan3A_82 : i32
      %add3A_213 = arith.constant 1 : i32
      %add3A_214 = arith.addi %mul3A_212, %add3A_213 : i32
      %add3A_215 = arith.constant 1 : i32
      %add3A_216 = arith.addi %add3A_214, %add3A_215 : i32
      %lt3A_217 = arith.constant 64 : i32
      %lt3A_218 = arith.cmpi slt, %add3A_216, %lt3A_217 : i32
      %convert_element_type3A_219 = arith.extui %lt3A_218 : i1 to i32
      %cond3A_220 = arith.constant 0 : i32
      %cond3A_221 = arith.cmpi ne, %convert_element_type3A_219, %cond3A_220 : i32
      scf.if %cond3A_221 {
        %ge3A = arith.constant 1 : i32
        %ge3A_343 = arith.cmpi sge, %add3A_214, %ge3A : i32
        %convert_element_type3A_344 = arith.extui %ge3A_343 : i1 to i32
        %cond3A_345 = arith.constant 0 : i32
        %cond3A_346 = arith.cmpi ne, %convert_element_type3A_344, %cond3A_345 : i32
        scf.if %cond3A_346 {
          %dma_wait3A_359 = arith.constant 0 : i32
          %dma_wait3A_360 = arith.constant 0 : i32
          %dma_wait3A_361 = tpu.memref_slice %arg5[%dma_wait3A_359, %dma_wait3A_360] : memref<819200x128xf32, #tpu.memory_space<hbm>> -> memref<100x64xf32, #tpu.memory_space<hbm>>
          %dma_wait3A_362 = arith.constant 0 : i32
          %dma_wait3A_363 = arith.constant 0 : i32
          %dma_wait3A_364 = tpu.memref_slice %arg5[%dma_wait3A_362, %dma_wait3A_363] : memref<819200x128xf32, #tpu.memory_space<hbm>> -> memref<100x64xf32, #tpu.memory_space<hbm>>
          tpu.wait_dma2 semaphore(%arg24 : memref<!tpu.dma_semaphore, #tpu.memory_space<semaphore_mem>>) src(%arg8 : memref<100x64xf32, #tpu.memory_space<vmem>>) dst(%dma_wait3A_364 : memref<100x64xf32, #tpu.memory_space<hbm>>)
        } else {
        }
        %add3A_347 = arith.constant 1 : i32
        %add3A_348 = arith.addi %add3A_214, %add3A_347 : i32
        %mul3A_349 = arith.constant 4 : i32
        %mul3A_350 = arith.muli %add3A_348, %mul3A_349 : i32
        %add3A_351 = arith.constant 0 : i32
        %add3A_352 = arith.addi %mul3A_350, %add3A_351 : i32
        %dma_start3A_353 = arith.constant 0 : i32
        %dma_start3A_354 = tpu.memref_slice %arg6[%add3A_352, %dma_start3A_353] : memref<256x100xi32, #tpu.memory_space<vmem>> -> memref<1x100xi32, #tpu.memory_space<vmem>>
        %dma_start3A_355 = tpu.memref_squeeze %dma_start3A_354 : memref<1x100xi32, #tpu.memory_space<vmem>> -> memref<100xi32, #tpu.memory_space<vmem>>
        %dma_start3A_356 = arith.constant 0 : i32
        %dma_start3A_357 = arith.constant 0 : i32
        %dma_start3A_358 = tpu.memref_slice %arg3[%dma_start3A_356, %dma_start3A_357] : memref<2000000x64xf32, #tpu.memory_space<hbm>> -> memref<2000000x64xf32, #tpu.memory_space<hbm>>
        tpu.enqueue_indirect_dma source(%dma_start3A_358 : memref<2000000x64xf32, #tpu.memory_space<hbm>>) target(%arg8 : memref<100x64xf32, #tpu.memory_space<vmem>>) offsets(%dma_start3A_355 : memref<100xi32, #tpu.memory_space<vmem>>) semaphore(%arg16 : memref<!tpu.dma_semaphore, #tpu.memory_space<semaphore_mem>>)
      } else {
      }
      %add3A_222 = arith.constant 1 : i32
      %add3A_223 = arith.addi %add3A_214, %add3A_222 : i32
      %lt3A_224 = arith.constant 64 : i32
      %lt3A_225 = arith.cmpi slt, %add3A_223, %lt3A_224 : i32
      %convert_element_type3A_226 = arith.extui %lt3A_225 : i1 to i32
      %cond3A_227 = arith.constant 0 : i32
      %cond3A_228 = arith.cmpi ne, %convert_element_type3A_226, %cond3A_227 : i32
      scf.if %cond3A_228 {
        %ge3A = arith.constant 1 : i32
        %ge3A_343 = arith.cmpi sge, %add3A_214, %ge3A : i32
        %convert_element_type3A_344 = arith.extui %ge3A_343 : i1 to i32
        %cond3A_345 = arith.constant 0 : i32
        %cond3A_346 = arith.cmpi ne, %convert_element_type3A_344, %cond3A_345 : i32
        scf.if %cond3A_346 {
          %dma_wait3A_359 = arith.constant 0 : i32
          %dma_wait3A_360 = arith.constant 0 : i32
          %dma_wait3A_361 = tpu.memref_slice %arg5[%dma_wait3A_359, %dma_wait3A_360] : memref<819200x128xf32, #tpu.memory_space<hbm>> -> memref<100x64xf32, #tpu.memory_space<hbm>>
          %dma_wait3A_362 = arith.constant 0 : i32
          %dma_wait3A_363 = arith.constant 0 : i32
          %dma_wait3A_364 = tpu.memref_slice %arg5[%dma_wait3A_362, %dma_wait3A_363] : memref<819200x128xf32, #tpu.memory_space<hbm>> -> memref<100x64xf32, #tpu.memory_space<hbm>>
          tpu.wait_dma2 semaphore(%arg25 : memref<!tpu.dma_semaphore, #tpu.memory_space<semaphore_mem>>) src(%arg9 : memref<100x64xf32, #tpu.memory_space<vmem>>) dst(%dma_wait3A_364 : memref<100x64xf32, #tpu.memory_space<hbm>>)
        } else {
        }
        %add3A_347 = arith.constant 1 : i32
        %add3A_348 = arith.addi %add3A_214, %add3A_347 : i32
        %mul3A_349 = arith.constant 4 : i32
        %mul3A_350 = arith.muli %add3A_348, %mul3A_349 : i32
        %add3A_351 = arith.constant 1 : i32
        %add3A_352 = arith.addi %mul3A_350, %add3A_351 : i32
        %dma_start3A_353 = arith.constant 0 : i32
        %dma_start3A_354 = tpu.memref_slice %arg6[%add3A_352, %dma_start3A_353] : memref<256x100xi32, #tpu.memory_space<vmem>> -> memref<1x100xi32, #tpu.memory_space<vmem>>
        %dma_start3A_355 = tpu.memref_squeeze %dma_start3A_354 : memref<1x100xi32, #tpu.memory_space<vmem>> -> memref<100xi32, #tpu.memory_space<vmem>>
        %dma_start3A_356 = arith.constant 0 : i32
        %dma_start3A_357 = arith.constant 0 : i32
        %dma_start3A_358 = tpu.memref_slice %arg3[%dma_start3A_356, %dma_start3A_357] : memref<2000000x64xf32, #tpu.memory_space<hbm>> -> memref<2000000x64xf32, #tpu.memory_space<hbm>>
        tpu.enqueue_indirect_dma source(%dma_start3A_358 : memref<2000000x64xf32, #tpu.memory_space<hbm>>) target(%arg9 : memref<100x64xf32, #tpu.memory_space<vmem>>) offsets(%dma_start3A_355 : memref<100xi32, #tpu.memory_space<vmem>>) semaphore(%arg17 : memref<!tpu.dma_semaphore, #tpu.memory_space<semaphore_mem>>)
      } else {
      }
      %add3A_229 = arith.constant 1 : i32
      %add3A_230 = arith.addi %add3A_214, %add3A_229 : i32
      %lt3A_231 = arith.constant 64 : i32
      %lt3A_232 = arith.cmpi slt, %add3A_230, %lt3A_231 : i32
      %convert_element_type3A_233 = arith.extui %lt3A_232 : i1 to i32
      %cond3A_234 = arith.constant 0 : i32
      %cond3A_235 = arith.cmpi ne, %convert_element_type3A_233, %cond3A_234 : i32
      scf.if %cond3A_235 {
        %ge3A = arith.constant 1 : i32
        %ge3A_343 = arith.cmpi sge, %add3A_214, %ge3A : i32
        %convert_element_type3A_344 = arith.extui %ge3A_343 : i1 to i32
        %cond3A_345 = arith.constant 0 : i32
        %cond3A_346 = arith.cmpi ne, %convert_element_type3A_344, %cond3A_345 : i32
        scf.if %cond3A_346 {
          %dma_wait3A_359 = arith.constant 0 : i32
          %dma_wait3A_360 = arith.constant 0 : i32
          %dma_wait3A_361 = tpu.memref_slice %arg5[%dma_wait3A_359, %dma_wait3A_360] : memref<819200x128xf32, #tpu.memory_space<hbm>> -> memref<100x64xf32, #tpu.memory_space<hbm>>
          %dma_wait3A_362 = arith.constant 0 : i32
          %dma_wait3A_363 = arith.constant 0 : i32
          %dma_wait3A_364 = tpu.memref_slice %arg5[%dma_wait3A_362, %dma_wait3A_363] : memref<819200x128xf32, #tpu.memory_space<hbm>> -> memref<100x64xf32, #tpu.memory_space<hbm>>
          tpu.wait_dma2 semaphore(%arg26 : memref<!tpu.dma_semaphore, #tpu.memory_space<semaphore_mem>>) src(%arg10 : memref<100x64xf32, #tpu.memory_space<vmem>>) dst(%dma_wait3A_364 : memref<100x64xf32, #tpu.memory_space<hbm>>)
        } else {
        }
        %add3A_347 = arith.constant 1 : i32
        %add3A_348 = arith.addi %add3A_214, %add3A_347 : i32
        %mul3A_349 = arith.constant 4 : i32
        %mul3A_350 = arith.muli %add3A_348, %mul3A_349 : i32
        %add3A_351 = arith.constant 2 : i32
        %add3A_352 = arith.addi %mul3A_350, %add3A_351 : i32
        %dma_start3A_353 = arith.constant 0 : i32
        %dma_start3A_354 = tpu.memref_slice %arg6[%add3A_352, %dma_start3A_353] : memref<256x100xi32, #tpu.memory_space<vmem>> -> memref<1x100xi32, #tpu.memory_space<vmem>>
        %dma_start3A_355 = tpu.memref_squeeze %dma_start3A_354 : memref<1x100xi32, #tpu.memory_space<vmem>> -> memref<100xi32, #tpu.memory_space<vmem>>
        %dma_start3A_356 = arith.constant 0 : i32
        %dma_start3A_357 = arith.constant 0 : i32
        %dma_start3A_358 = tpu.memref_slice %arg3[%dma_start3A_356, %dma_start3A_357] : memref<2000000x64xf32, #tpu.memory_space<hbm>> -> memref<2000000x64xf32, #tpu.memory_space<hbm>>
        tpu.enqueue_indirect_dma source(%dma_start3A_358 : memref<2000000x64xf32, #tpu.memory_space<hbm>>) target(%arg10 : memref<100x64xf32, #tpu.memory_space<vmem>>) offsets(%dma_start3A_355 : memref<100xi32, #tpu.memory_space<vmem>>) semaphore(%arg18 : memref<!tpu.dma_semaphore, #tpu.memory_space<semaphore_mem>>)
      } else {
      }
      %add3A_236 = arith.constant 1 : i32
      %add3A_237 = arith.addi %add3A_214, %add3A_236 : i32
      %lt3A_238 = arith.constant 64 : i32
      %lt3A_239 = arith.cmpi slt, %add3A_237, %lt3A_238 : i32
      %convert_element_type3A_240 = arith.extui %lt3A_239 : i1 to i32
      %cond3A_241 = arith.constant 0 : i32
      %cond3A_242 = arith.cmpi ne, %convert_element_type3A_240, %cond3A_241 : i32
      scf.if %cond3A_242 {
        %ge3A = arith.constant 1 : i32
        %ge3A_343 = arith.cmpi sge, %add3A_214, %ge3A : i32
        %convert_element_type3A_344 = arith.extui %ge3A_343 : i1 to i32
        %cond3A_345 = arith.constant 0 : i32
        %cond3A_346 = arith.cmpi ne, %convert_element_type3A_344, %cond3A_345 : i32
        scf.if %cond3A_346 {
          %dma_wait3A_359 = arith.constant 0 : i32
          %dma_wait3A_360 = arith.constant 0 : i32
          %dma_wait3A_361 = tpu.memref_slice %arg5[%dma_wait3A_359, %dma_wait3A_360] : memref<819200x128xf32, #tpu.memory_space<hbm>> -> memref<100x64xf32, #tpu.memory_space<hbm>>
          %dma_wait3A_362 = arith.constant 0 : i32
          %dma_wait3A_363 = arith.constant 0 : i32
          %dma_wait3A_364 = tpu.memref_slice %arg5[%dma_wait3A_362, %dma_wait3A_363] : memref<819200x128xf32, #tpu.memory_space<hbm>> -> memref<100x64xf32, #tpu.memory_space<hbm>>
          tpu.wait_dma2 semaphore(%arg27 : memref<!tpu.dma_semaphore, #tpu.memory_space<semaphore_mem>>) src(%arg11 : memref<100x64xf32, #tpu.memory_space<vmem>>) dst(%dma_wait3A_364 : memref<100x64xf32, #tpu.memory_space<hbm>>)
        } else {
        }
        %add3A_347 = arith.constant 1 : i32
        %add3A_348 = arith.addi %add3A_214, %add3A_347 : i32
        %mul3A_349 = arith.constant 4 : i32
        %mul3A_350 = arith.muli %add3A_348, %mul3A_349 : i32
        %add3A_351 = arith.constant 3 : i32
        %add3A_352 = arith.addi %mul3A_350, %add3A_351 : i32
        %dma_start3A_353 = arith.constant 0 : i32
        %dma_start3A_354 = tpu.memref_slice %arg6[%add3A_352, %dma_start3A_353] : memref<256x100xi32, #tpu.memory_space<vmem>> -> memref<1x100xi32, #tpu.memory_space<vmem>>
        %dma_start3A_355 = tpu.memref_squeeze %dma_start3A_354 : memref<1x100xi32, #tpu.memory_space<vmem>> -> memref<100xi32, #tpu.memory_space<vmem>>
        %dma_start3A_356 = arith.constant 0 : i32
        %dma_start3A_357 = arith.constant 0 : i32
        %dma_start3A_358 = tpu.memref_slice %arg3[%dma_start3A_356, %dma_start3A_357] : memref<2000000x64xf32, #tpu.memory_space<hbm>> -> memref<2000000x64xf32, #tpu.memory_space<hbm>>
        tpu.enqueue_indirect_dma source(%dma_start3A_358 : memref<2000000x64xf32, #tpu.memory_space<hbm>>) target(%arg11 : memref<100x64xf32, #tpu.memory_space<vmem>>) offsets(%dma_start3A_355 : memref<100xi32, #tpu.memory_space<vmem>>) semaphore(%arg19 : memref<!tpu.dma_semaphore, #tpu.memory_space<semaphore_mem>>)
      } else {
      }
      %dma_wait3A_243 = arith.constant 0 : i32
      %dma_wait3A_244 = arith.constant 0 : i32
      %dma_wait3A_245 = tpu.memref_slice %arg6[%dma_wait3A_243, %dma_wait3A_244] : memref<256x100xi32, #tpu.memory_space<vmem>> -> memref<1x100xi32, #tpu.memory_space<vmem>>
      %dma_wait3A_246 = tpu.memref_squeeze %dma_wait3A_245 : memref<1x100xi32, #tpu.memory_space<vmem>> -> memref<100xi32, #tpu.memory_space<vmem>>
      %dma_wait3A_247 = arith.constant 0 : i32
      %dma_wait3A_248 = arith.constant 0 : i32
      %dma_wait3A_249 = tpu.memref_slice %arg3[%dma_wait3A_247, %dma_wait3A_248] : memref<2000000x64xf32, #tpu.memory_space<hbm>> -> memref<2000000x64xf32, #tpu.memory_space<hbm>>
      tpu.wait_indirect_dma semaphore(%arg20 : memref<!tpu.dma_semaphore, #tpu.memory_space<semaphore_mem>>) src(%dma_wait3A_249 : memref<2000000x64xf32, #tpu.memory_space<hbm>>) dst(%arg12 : memref<100x64xf32, #tpu.memory_space<vmem>>)
      %mul3A_250 = arith.constant 4 : i32
      %mul3A_251 = arith.muli %add3A_214, %mul3A_250 : i32
      %add3A_252 = arith.constant 0 : i32
      %add3A_253 = arith.addi %mul3A_251, %add3A_252 : i32
      %parallel_loop3A_254 = arith.constant 0 : i32
      %parallel_loop3A_255 = arith.constant 100 : i32
      %parallel_loop3A_256 = arith.constant 1 : i32
      scf.for %parallel_loop3A_343 = %parallel_loop3A_254 to %parallel_loop3A_255 step %parallel_loop3A_256  : i32 {
        %parallel_loop3A_344 = arith.constant 0 : i32
        %parallel_loop3A_345 = arith.addi %parallel_loop3A_344, %parallel_loop3A_343 : i32
        %parallel_loop3A_346 = arith.index_cast %parallel_loop3A_343 : i32 to index
        %parallel_loop3A_347 = arith.constant 0 : index
        %parallel_loop3A_348 = tpu.vector_load %arg12[%parallel_loop3A_346, %parallel_loop3A_347] {strides = array<i32>} : memref<100x64xf32, #tpu.memory_space<vmem>>, vector<1x16xf32>,
        %parallel_loop3A_349 = vector.shape_cast %parallel_loop3A_348 : vector<1x16xf32> to vector<16xf32>
        %parallel_loop3A_350 = arith.index_cast %parallel_loop3A_345 : i32 to index
        %parallel_loop3A_351 = arith.constant 0 : index
        %parallel_loop3A_352 = tpu.vector_load %arg7[%parallel_loop3A_350, %parallel_loop3A_351] {strides = array<i32>} : memref<200x64xf32, #tpu.memory_space<vmem>>, vector<1x16xf32>,
        %parallel_loop3A_353 = vector.shape_cast %parallel_loop3A_352 : vector<1x16xf32> to vector<16xf32>
        %parallel_loop3A_354 = arith.addf %parallel_loop3A_349, %parallel_loop3A_353 : vector<16xf32>
        %parallel_loop3A_355 = arith.index_cast %parallel_loop3A_343 : i32 to index
        %parallel_loop3A_356 = arith.constant 0 : index
        %parallel_loop3A_357 = tpu.vector_load %arg12[%parallel_loop3A_355, %parallel_loop3A_356] {strides = array<i32>} : memref<100x64xf32, #tpu.memory_space<vmem>>, vector<1x16xf32>,
        %parallel_loop3A_358 = vector.shape_cast %parallel_loop3A_357 : vector<1x16xf32> to vector<16xf32>
        %parallel_loop3A_359 = vector.shape_cast %parallel_loop3A_354 : vector<16xf32> to vector<1x16xf32>
        tpu.vector_store %arg12[%parallel_loop3A_355, %parallel_loop3A_356], %parallel_loop3A_359 {strides = array<i32>} : memref<100x64xf32, #tpu.memory_space<vmem>>, vector<1x16xf32>,
        %parallel_loop3A_360 = arith.index_cast %parallel_loop3A_343 : i32 to index
        %parallel_loop3A_361 = arith.constant 16 : index
        %parallel_loop3A_362 = tpu.vector_load %arg12[%parallel_loop3A_360, %parallel_loop3A_361] {strides = array<i32>} : memref<100x64xf32, #tpu.memory_space<vmem>>, vector<1x16xf32>,
        %parallel_loop3A_363 = vector.shape_cast %parallel_loop3A_362 : vector<1x16xf32> to vector<16xf32>
        %parallel_loop3A_364 = arith.index_cast %parallel_loop3A_345 : i32 to index
        %parallel_loop3A_365 = arith.constant 16 : index
        %parallel_loop3A_366 = tpu.vector_load %arg7[%parallel_loop3A_364, %parallel_loop3A_365] {strides = array<i32>} : memref<200x64xf32, #tpu.memory_space<vmem>>, vector<1x16xf32>,
        %parallel_loop3A_367 = vector.shape_cast %parallel_loop3A_366 : vector<1x16xf32> to vector<16xf32>
        %parallel_loop3A_368 = arith.addf %parallel_loop3A_363, %parallel_loop3A_367 : vector<16xf32>
        %parallel_loop3A_369 = arith.index_cast %parallel_loop3A_343 : i32 to index
        %parallel_loop3A_370 = arith.constant 16 : index
        %parallel_loop3A_371 = tpu.vector_load %arg12[%parallel_loop3A_369, %parallel_loop3A_370] {strides = array<i32>} : memref<100x64xf32, #tpu.memory_space<vmem>>, vector<1x16xf32>,
        %parallel_loop3A_372 = vector.shape_cast %parallel_loop3A_371 : vector<1x16xf32> to vector<16xf32>
        %parallel_loop3A_373 = vector.shape_cast %parallel_loop3A_368 : vector<16xf32> to vector<1x16xf32>
        tpu.vector_store %arg12[%parallel_loop3A_369, %parallel_loop3A_370], %parallel_loop3A_373 {strides = array<i32>} : memref<100x64xf32, #tpu.memory_space<vmem>>, vector<1x16xf32>,
        %parallel_loop3A_374 = arith.index_cast %parallel_loop3A_343 : i32 to index
        %parallel_loop3A_375 = arith.constant 32 : index
        %parallel_loop3A_376 = tpu.vector_load %arg12[%parallel_loop3A_374, %parallel_loop3A_375] {strides = array<i32>} : memref<100x64xf32, #tpu.memory_space<vmem>>, vector<1x16xf32>,
        %parallel_loop3A_377 = vector.shape_cast %parallel_loop3A_376 : vector<1x16xf32> to vector<16xf32>
        %parallel_loop3A_378 = arith.index_cast %parallel_loop3A_345 : i32 to index
        %parallel_loop3A_379 = arith.constant 32 : index
        %parallel_loop3A_380 = tpu.vector_load %arg7[%parallel_loop3A_378, %parallel_loop3A_379] {strides = array<i32>} : memref<200x64xf32, #tpu.memory_space<vmem>>, vector<1x16xf32>,
        %parallel_loop3A_381 = vector.shape_cast %parallel_loop3A_380 : vector<1x16xf32> to vector<16xf32>
        %parallel_loop3A_382 = arith.addf %parallel_loop3A_377, %parallel_loop3A_381 : vector<16xf32>
        %parallel_loop3A_383 = arith.index_cast %parallel_loop3A_343 : i32 to index
        %parallel_loop3A_384 = arith.constant 32 : index
        %parallel_loop3A_385 = tpu.vector_load %arg12[%parallel_loop3A_383, %parallel_loop3A_384] {strides = array<i32>} : memref<100x64xf32, #tpu.memory_space<vmem>>, vector<1x16xf32>,
        %parallel_loop3A_386 = vector.shape_cast %parallel_loop3A_385 : vector<1x16xf32> to vector<16xf32>
        %parallel_loop3A_387 = vector.shape_cast %parallel_loop3A_382 : vector<16xf32> to vector<1x16xf32>
        tpu.vector_store %arg12[%parallel_loop3A_383, %parallel_loop3A_384], %parallel_loop3A_387 {strides = array<i32>} : memref<100x64xf32, #tpu.memory_space<vmem>>, vector<1x16xf32>,
        %parallel_loop3A_388 = arith.index_cast %parallel_loop3A_343 : i32 to index
        %parallel_loop3A_389 = arith.constant 48 : index
        %parallel_loop3A_390 = tpu.vector_load %arg12[%parallel_loop3A_388, %parallel_loop3A_389] {strides = array<i32>} : memref<100x64xf32, #tpu.memory_space<vmem>>, vector<1x16xf32>,
        %parallel_loop3A_391 = vector.shape_cast %parallel_loop3A_390 : vector<1x16xf32> to vector<16xf32>
        %parallel_loop3A_392 = arith.index_cast %parallel_loop3A_345 : i32 to index
        %parallel_loop3A_393 = arith.constant 48 : index
        %parallel_loop3A_394 = tpu.vector_load %arg7[%parallel_loop3A_392, %parallel_loop3A_393] {strides = array<i32>} : memref<200x64xf32, #tpu.memory_space<vmem>>, vector<1x16xf32>,
        %parallel_loop3A_395 = vector.shape_cast %parallel_loop3A_394 : vector<1x16xf32> to vector<16xf32>
        %parallel_loop3A_396 = arith.addf %parallel_loop3A_391, %parallel_loop3A_395 : vector<16xf32>
        %parallel_loop3A_397 = arith.index_cast %parallel_loop3A_343 : i32 to index
        %parallel_loop3A_398 = arith.constant 48 : index
        %parallel_loop3A_399 = tpu.vector_load %arg12[%parallel_loop3A_397, %parallel_loop3A_398] {strides = array<i32>} : memref<100x64xf32, #tpu.memory_space<vmem>>, vector<1x16xf32>,
        %parallel_loop3A_400 = vector.shape_cast %parallel_loop3A_399 : vector<1x16xf32> to vector<16xf32>
        %parallel_loop3A_401 = vector.shape_cast %parallel_loop3A_396 : vector<16xf32> to vector<1x16xf32>
        tpu.vector_store %arg12[%parallel_loop3A_397, %parallel_loop3A_398], %parallel_loop3A_401 {strides = array<i32>} : memref<100x64xf32, #tpu.memory_space<vmem>>, vector<1x16xf32>,
      } {sc.loop_unroll_factor = 4 : i64, sc.parallel_access}
      %mul3A_257 = arith.constant 4 : i32
      %mul3A_258 = arith.muli %add3A_214, %mul3A_257 : i32
      %add3A_259 = arith.constant 0 : i32
      %add3A_260 = arith.addi %mul3A_258, %add3A_259 : i32
      %add3A_261 = arith.addi %mul3A_2, %add3A_260 : i32
      %mul3A_262 = arith.constant 100 : i32
      %mul3A_263 = arith.muli %add3A_261, %mul3A_262 : i32
      %dma_start3A_264 = arith.constant 0 : i32
      %dma_start3A_265 = tpu.memref_slice %arg5[%mul3A_263, %dma_start3A_264] : memref<819200x128xf32, #tpu.memory_space<hbm>> -> memref<100x64xf32, #tpu.memory_space<hbm>>
      %dma_start3A_266 = arith.constant 0 : i32
      %dma_start3A_267 = tpu.memref_slice %arg5[%mul3A_263, %dma_start3A_266] : memref<819200x128xf32, #tpu.memory_space<hbm>> -> memref<100x64xf32, #tpu.memory_space<hbm>>
      tpu.enqueue_dma source(%arg12 : memref<100x64xf32, #tpu.memory_space<vmem>>) target(%dma_start3A_267 : memref<100x64xf32, #tpu.memory_space<hbm>>) target_semaphore(%arg28 : memref<!tpu.dma_semaphore, #tpu.memory_space<semaphore_mem>>)
      %dma_wait3A_268 = arith.constant 0 : i32
      %dma_wait3A_269 = arith.constant 0 : i32
      %dma_wait3A_270 = tpu.memref_slice %arg6[%dma_wait3A_268, %dma_wait3A_269] : memref<256x100xi32, #tpu.memory_space<vmem>> -> memref<1x100xi32, #tpu.memory_space<vmem>>
      %dma_wait3A_271 = tpu.memref_squeeze %dma_wait3A_270 : memref<1x100xi32, #tpu.memory_space<vmem>> -> memref<100xi32, #tpu.memory_space<vmem>>
      %dma_wait3A_272 = arith.constant 0 : i32
      %dma_wait3A_273 = arith.constant 0 : i32
      %dma_wait3A_274 = tpu.memref_slice %arg3[%dma_wait3A_272, %dma_wait3A_273] : memref<2000000x64xf32, #tpu.memory_space<hbm>> -> memref<2000000x64xf32, #tpu.memory_space<hbm>>
      tpu.wait_indirect_dma semaphore(%arg21 : memref<!tpu.dma_semaphore, #tpu.memory_space<semaphore_mem>>) src(%dma_wait3A_274 : memref<2000000x64xf32, #tpu.memory_space<hbm>>) dst(%arg13 : memref<100x64xf32, #tpu.memory_space<vmem>>)
      %mul3A_275 = arith.constant 4 : i32
      %mul3A_276 = arith.muli %add3A_214, %mul3A_275 : i32
      %add3A_277 = arith.constant 1 : i32
      %add3A_278 = arith.addi %mul3A_276, %add3A_277 : i32
      %parallel_loop3A_279 = arith.constant 0 : i32
      %parallel_loop3A_280 = arith.constant 100 : i32
      %parallel_loop3A_281 = arith.constant 1 : i32
      scf.for %parallel_loop3A_343 = %parallel_loop3A_279 to %parallel_loop3A_280 step %parallel_loop3A_281  : i32 {
        %parallel_loop3A_344 = arith.constant 100 : i32
        %parallel_loop3A_345 = arith.addi %parallel_loop3A_344, %parallel_loop3A_343 : i32
        %parallel_loop3A_346 = arith.index_cast %parallel_loop3A_343 : i32 to index
        %parallel_loop3A_347 = arith.constant 0 : index
        %parallel_loop3A_348 = tpu.vector_load %arg13[%parallel_loop3A_346, %parallel_loop3A_347] {strides = array<i32>} : memref<100x64xf32, #tpu.memory_space<vmem>>, vector<1x16xf32>,
        %parallel_loop3A_349 = vector.shape_cast %parallel_loop3A_348 : vector<1x16xf32> to vector<16xf32>
        %parallel_loop3A_350 = arith.index_cast %parallel_loop3A_345 : i32 to index
        %parallel_loop3A_351 = arith.constant 0 : index
        %parallel_loop3A_352 = tpu.vector_load %arg7[%parallel_loop3A_350, %parallel_loop3A_351] {strides = array<i32>} : memref<200x64xf32, #tpu.memory_space<vmem>>, vector<1x16xf32>,
        %parallel_loop3A_353 = vector.shape_cast %parallel_loop3A_352 : vector<1x16xf32> to vector<16xf32>
        %parallel_loop3A_354 = arith.addf %parallel_loop3A_349, %parallel_loop3A_353 : vector<16xf32>
        %parallel_loop3A_355 = arith.index_cast %parallel_loop3A_343 : i32 to index
        %parallel_loop3A_356 = arith.constant 0 : index
        %parallel_loop3A_357 = tpu.vector_load %arg13[%parallel_loop3A_355, %parallel_loop3A_356] {strides = array<i32>} : memref<100x64xf32, #tpu.memory_space<vmem>>, vector<1x16xf32>,
        %parallel_loop3A_358 = vector.shape_cast %parallel_loop3A_357 : vector<1x16xf32> to vector<16xf32>
        %parallel_loop3A_359 = vector.shape_cast %parallel_loop3A_354 : vector<16xf32> to vector<1x16xf32>
        tpu.vector_store %arg13[%parallel_loop3A_355, %parallel_loop3A_356], %parallel_loop3A_359 {strides = array<i32>} : memref<100x64xf32, #tpu.memory_space<vmem>>, vector<1x16xf32>,
        %parallel_loop3A_360 = arith.index_cast %parallel_loop3A_343 : i32 to index
        %parallel_loop3A_361 = arith.constant 16 : index
        %parallel_loop3A_362 = tpu.vector_load %arg13[%parallel_loop3A_360, %parallel_loop3A_361] {strides = array<i32>} : memref<100x64xf32, #tpu.memory_space<vmem>>, vector<1x16xf32>,
        %parallel_loop3A_363 = vector.shape_cast %parallel_loop3A_362 : vector<1x16xf32> to vector<16xf32>
        %parallel_loop3A_364 = arith.index_cast %parallel_loop3A_345 : i32 to index
        %parallel_loop3A_365 = arith.constant 16 : index
        %parallel_loop3A_366 = tpu.vector_load %arg7[%parallel_loop3A_364, %parallel_loop3A_365] {strides = array<i32>} : memref<200x64xf32, #tpu.memory_space<vmem>>, vector<1x16xf32>,
        %parallel_loop3A_367 = vector.shape_cast %parallel_loop3A_366 : vector<1x16xf32> to vector<16xf32>
        %parallel_loop3A_368 = arith.addf %parallel_loop3A_363, %parallel_loop3A_367 : vector<16xf32>
        %parallel_loop3A_369 = arith.index_cast %parallel_loop3A_343 : i32 to index
        %parallel_loop3A_370 = arith.constant 16 : index
        %parallel_loop3A_371 = tpu.vector_load %arg13[%parallel_loop3A_369, %parallel_loop3A_370] {strides = array<i32>} : memref<100x64xf32, #tpu.memory_space<vmem>>, vector<1x16xf32>,
        %parallel_loop3A_372 = vector.shape_cast %parallel_loop3A_371 : vector<1x16xf32> to vector<16xf32>
        %parallel_loop3A_373 = vector.shape_cast %parallel_loop3A_368 : vector<16xf32> to vector<1x16xf32>
        tpu.vector_store %arg13[%parallel_loop3A_369, %parallel_loop3A_370], %parallel_loop3A_373 {strides = array<i32>} : memref<100x64xf32, #tpu.memory_space<vmem>>, vector<1x16xf32>,
        %parallel_loop3A_374 = arith.index_cast %parallel_loop3A_343 : i32 to index
        %parallel_loop3A_375 = arith.constant 32 : index
        %parallel_loop3A_376 = tpu.vector_load %arg13[%parallel_loop3A_374, %parallel_loop3A_375] {strides = array<i32>} : memref<100x64xf32, #tpu.memory_space<vmem>>, vector<1x16xf32>,
        %parallel_loop3A_377 = vector.shape_cast %parallel_loop3A_376 : vector<1x16xf32> to vector<16xf32>
        %parallel_loop3A_378 = arith.index_cast %parallel_loop3A_345 : i32 to index
        %parallel_loop3A_379 = arith.constant 32 : index
        %parallel_loop3A_380 = tpu.vector_load %arg7[%parallel_loop3A_378, %parallel_loop3A_379] {strides = array<i32>} : memref<200x64xf32, #tpu.memory_space<vmem>>, vector<1x16xf32>,
        %parallel_loop3A_381 = vector.shape_cast %parallel_loop3A_380 : vector<1x16xf32> to vector<16xf32>
        %parallel_loop3A_382 = arith.addf %parallel_loop3A_377, %parallel_loop3A_381 : vector<16xf32>
        %parallel_loop3A_383 = arith.index_cast %parallel_loop3A_343 : i32 to index
        %parallel_loop3A_384 = arith.constant 32 : index
        %parallel_loop3A_385 = tpu.vector_load %arg13[%parallel_loop3A_383, %parallel_loop3A_384] {strides = array<i32>} : memref<100x64xf32, #tpu.memory_space<vmem>>, vector<1x16xf32>,
        %parallel_loop3A_386 = vector.shape_cast %parallel_loop3A_385 : vector<1x16xf32> to vector<16xf32>
        %parallel_loop3A_387 = vector.shape_cast %parallel_loop3A_382 : vector<16xf32> to vector<1x16xf32>
        tpu.vector_store %arg13[%parallel_loop3A_383, %parallel_loop3A_384], %parallel_loop3A_387 {strides = array<i32>} : memref<100x64xf32, #tpu.memory_space<vmem>>, vector<1x16xf32>,
        %parallel_loop3A_388 = arith.index_cast %parallel_loop3A_343 : i32 to index
        %parallel_loop3A_389 = arith.constant 48 : index
        %parallel_loop3A_390 = tpu.vector_load %arg13[%parallel_loop3A_388, %parallel_loop3A_389] {strides = array<i32>} : memref<100x64xf32, #tpu.memory_space<vmem>>, vector<1x16xf32>,
        %parallel_loop3A_391 = vector.shape_cast %parallel_loop3A_390 : vector<1x16xf32> to vector<16xf32>
        %parallel_loop3A_392 = arith.index_cast %parallel_loop3A_345 : i32 to index
        %parallel_loop3A_393 = arith.constant 48 : index
        %parallel_loop3A_394 = tpu.vector_load %arg7[%parallel_loop3A_392, %parallel_loop3A_393] {strides = array<i32>} : memref<200x64xf32, #tpu.memory_space<vmem>>, vector<1x16xf32>,
        %parallel_loop3A_395 = vector.shape_cast %parallel_loop3A_394 : vector<1x16xf32> to vector<16xf32>
        %parallel_loop3A_396 = arith.addf %parallel_loop3A_391, %parallel_loop3A_395 : vector<16xf32>
        %parallel_loop3A_397 = arith.index_cast %parallel_loop3A_343 : i32 to index
        %parallel_loop3A_398 = arith.constant 48 : index
        %parallel_loop3A_399 = tpu.vector_load %arg13[%parallel_loop3A_397, %parallel_loop3A_398] {strides = array<i32>} : memref<100x64xf32, #tpu.memory_space<vmem>>, vector<1x16xf32>,
        %parallel_loop3A_400 = vector.shape_cast %parallel_loop3A_399 : vector<1x16xf32> to vector<16xf32>
        %parallel_loop3A_401 = vector.shape_cast %parallel_loop3A_396 : vector<16xf32> to vector<1x16xf32>
        tpu.vector_store %arg13[%parallel_loop3A_397, %parallel_loop3A_398], %parallel_loop3A_401 {strides = array<i32>} : memref<100x64xf32, #tpu.memory_space<vmem>>, vector<1x16xf32>,
      } {sc.loop_unroll_factor = 4 : i64, sc.parallel_access}
      %mul3A_282 = arith.constant 4 : i32
      %mul3A_283 = arith.muli %add3A_214, %mul3A_282 : i32
      %add3A_284 = arith.constant 1 : i32
      %add3A_285 = arith.addi %mul3A_283, %add3A_284 : i32
      %add3A_286 = arith.addi %mul3A_2, %add3A_285 : i32
      %mul3A_287 = arith.constant 100 : i32
      %mul3A_288 = arith.muli %add3A_286, %mul3A_287 : i32
      %dma_start3A_289 = arith.constant 0 : i32
      %dma_start3A_290 = tpu.memref_slice %arg5[%mul3A_288, %dma_start3A_289] : memref<819200x128xf32, #tpu.memory_space<hbm>> -> memref<100x64xf32, #tpu.memory_space<hbm>>
      %dma_start3A_291 = arith.constant 0 : i32
      %dma_start3A_292 = tpu.memref_slice %arg5[%mul3A_288, %dma_start3A_291] : memref<819200x128xf32, #tpu.memory_space<hbm>> -> memref<100x64xf32, #tpu.memory_space<hbm>>
      tpu.enqueue_dma source(%arg13 : memref<100x64xf32, #tpu.memory_space<vmem>>) target(%dma_start3A_292 : memref<100x64xf32, #tpu.memory_space<hbm>>) target_semaphore(%arg29 : memref<!tpu.dma_semaphore, #tpu.memory_space<semaphore_mem>>)
      %dma_wait3A_293 = arith.constant 0 : i32
      %dma_wait3A_294 = arith.constant 0 : i32
      %dma_wait3A_295 = tpu.memref_slice %arg6[%dma_wait3A_293, %dma_wait3A_294] : memref<256x100xi32, #tpu.memory_space<vmem>> -> memref<1x100xi32, #tpu.memory_space<vmem>>
      %dma_wait3A_296 = tpu.memref_squeeze %dma_wait3A_295 : memref<1x100xi32, #tpu.memory_space<vmem>> -> memref<100xi32, #tpu.memory_space<vmem>>
      %dma_wait3A_297 = arith.constant 0 : i32
      %dma_wait3A_298 = arith.constant 0 : i32
      %dma_wait3A_299 = tpu.memref_slice %arg3[%dma_wait3A_297, %dma_wait3A_298] : memref<2000000x64xf32, #tpu.memory_space<hbm>> -> memref<2000000x64xf32, #tpu.memory_space<hbm>>
      tpu.wait_indirect_dma semaphore(%arg22 : memref<!tpu.dma_semaphore, #tpu.memory_space<semaphore_mem>>) src(%dma_wait3A_299 : memref<2000000x64xf32, #tpu.memory_space<hbm>>) dst(%arg14 : memref<100x64xf32, #tpu.memory_space<vmem>>)
      %mul3A_300 = arith.constant 4 : i32
      %mul3A_301 = arith.muli %add3A_214, %mul3A_300 : i32
      %add3A_302 = arith.constant 2 : i32
      %add3A_303 = arith.addi %mul3A_301, %add3A_302 : i32
      %parallel_loop3A_304 = arith.constant 0 : i32
      %parallel_loop3A_305 = arith.constant 100 : i32
      %parallel_loop3A_306 = arith.constant 1 : i32
      scf.for %parallel_loop3A_343 = %parallel_loop3A_304 to %parallel_loop3A_305 step %parallel_loop3A_306  : i32 {
        %parallel_loop3A_344 = arith.constant 0 : i32
        %parallel_loop3A_345 = arith.addi %parallel_loop3A_344, %parallel_loop3A_343 : i32
        %parallel_loop3A_346 = arith.index_cast %parallel_loop3A_343 : i32 to index
        %parallel_loop3A_347 = arith.constant 0 : index
        %parallel_loop3A_348 = tpu.vector_load %arg14[%parallel_loop3A_346, %parallel_loop3A_347] {strides = array<i32>} : memref<100x64xf32, #tpu.memory_space<vmem>>, vector<1x16xf32>,
        %parallel_loop3A_349 = vector.shape_cast %parallel_loop3A_348 : vector<1x16xf32> to vector<16xf32>
        %parallel_loop3A_350 = arith.index_cast %parallel_loop3A_345 : i32 to index
        %parallel_loop3A_351 = arith.constant 0 : index
        %parallel_loop3A_352 = tpu.vector_load %arg7[%parallel_loop3A_350, %parallel_loop3A_351] {strides = array<i32>} : memref<200x64xf32, #tpu.memory_space<vmem>>, vector<1x16xf32>,
        %parallel_loop3A_353 = vector.shape_cast %parallel_loop3A_352 : vector<1x16xf32> to vector<16xf32>
        %parallel_loop3A_354 = arith.addf %parallel_loop3A_349, %parallel_loop3A_353 : vector<16xf32>
        %parallel_loop3A_355 = arith.index_cast %parallel_loop3A_343 : i32 to index
        %parallel_loop3A_356 = arith.constant 0 : index
        %parallel_loop3A_357 = tpu.vector_load %arg14[%parallel_loop3A_355, %parallel_loop3A_356] {strides = array<i32>} : memref<100x64xf32, #tpu.memory_space<vmem>>, vector<1x16xf32>,
        %parallel_loop3A_358 = vector.shape_cast %parallel_loop3A_357 : vector<1x16xf32> to vector<16xf32>
        %parallel_loop3A_359 = vector.shape_cast %parallel_loop3A_354 : vector<16xf32> to vector<1x16xf32>
        tpu.vector_store %arg14[%parallel_loop3A_355, %parallel_loop3A_356], %parallel_loop3A_359 {strides = array<i32>} : memref<100x64xf32, #tpu.memory_space<vmem>>, vector<1x16xf32>,
        %parallel_loop3A_360 = arith.index_cast %parallel_loop3A_343 : i32 to index
        %parallel_loop3A_361 = arith.constant 16 : index
        %parallel_loop3A_362 = tpu.vector_load %arg14[%parallel_loop3A_360, %parallel_loop3A_361] {strides = array<i32>} : memref<100x64xf32, #tpu.memory_space<vmem>>, vector<1x16xf32>,
        %parallel_loop3A_363 = vector.shape_cast %parallel_loop3A_362 : vector<1x16xf32> to vector<16xf32>
        %parallel_loop3A_364 = arith.index_cast %parallel_loop3A_345 : i32 to index
        %parallel_loop3A_365 = arith.constant 16 : index
        %parallel_loop3A_366 = tpu.vector_load %arg7[%parallel_loop3A_364, %parallel_loop3A_365] {strides = array<i32>} : memref<200x64xf32, #tpu.memory_space<vmem>>, vector<1x16xf32>,
        %parallel_loop3A_367 = vector.shape_cast %parallel_loop3A_366 : vector<1x16xf32> to vector<16xf32>
        %parallel_loop3A_368 = arith.addf %parallel_loop3A_363, %parallel_loop3A_367 : vector<16xf32>
        %parallel_loop3A_369 = arith.index_cast %parallel_loop3A_343 : i32 to index
        %parallel_loop3A_370 = arith.constant 16 : index
        %parallel_loop3A_371 = tpu.vector_load %arg14[%parallel_loop3A_369, %parallel_loop3A_370] {strides = array<i32>} : memref<100x64xf32, #tpu.memory_space<vmem>>, vector<1x16xf32>,
        %parallel_loop3A_372 = vector.shape_cast %parallel_loop3A_371 : vector<1x16xf32> to vector<16xf32>
        %parallel_loop3A_373 = vector.shape_cast %parallel_loop3A_368 : vector<16xf32> to vector<1x16xf32>
        tpu.vector_store %arg14[%parallel_loop3A_369, %parallel_loop3A_370], %parallel_loop3A_373 {strides = array<i32>} : memref<100x64xf32, #tpu.memory_space<vmem>>, vector<1x16xf32>,
        %parallel_loop3A_374 = arith.index_cast %parallel_loop3A_343 : i32 to index
        %parallel_loop3A_375 = arith.constant 32 : index
        %parallel_loop3A_376 = tpu.vector_load %arg14[%parallel_loop3A_374, %parallel_loop3A_375] {strides = array<i32>} : memref<100x64xf32, #tpu.memory_space<vmem>>, vector<1x16xf32>,
        %parallel_loop3A_377 = vector.shape_cast %parallel_loop3A_376 : vector<1x16xf32> to vector<16xf32>
        %parallel_loop3A_378 = arith.index_cast %parallel_loop3A_345 : i32 to index
        %parallel_loop3A_379 = arith.constant 32 : index
        %parallel_loop3A_380 = tpu.vector_load %arg7[%parallel_loop3A_378, %parallel_loop3A_379] {strides = array<i32>} : memref<200x64xf32, #tpu.memory_space<vmem>>, vector<1x16xf32>,
        %parallel_loop3A_381 = vector.shape_cast %parallel_loop3A_380 : vector<1x16xf32> to vector<16xf32>
        %parallel_loop3A_382 = arith.addf %parallel_loop3A_377, %parallel_loop3A_381 : vector<16xf32>
        %parallel_loop3A_383 = arith.index_cast %parallel_loop3A_343 : i32 to index
        %parallel_loop3A_384 = arith.constant 32 : index
        %parallel_loop3A_385 = tpu.vector_load %arg14[%parallel_loop3A_383, %parallel_loop3A_384] {strides = array<i32>} : memref<100x64xf32, #tpu.memory_space<vmem>>, vector<1x16xf32>,
        %parallel_loop3A_386 = vector.shape_cast %parallel_loop3A_385 : vector<1x16xf32> to vector<16xf32>
        %parallel_loop3A_387 = vector.shape_cast %parallel_loop3A_382 : vector<16xf32> to vector<1x16xf32>
        tpu.vector_store %arg14[%parallel_loop3A_383, %parallel_loop3A_384], %parallel_loop3A_387 {strides = array<i32>} : memref<100x64xf32, #tpu.memory_space<vmem>>, vector<1x16xf32>,
        %parallel_loop3A_388 = arith.index_cast %parallel_loop3A_343 : i32 to index
        %parallel_loop3A_389 = arith.constant 48 : index
        %parallel_loop3A_390 = tpu.vector_load %arg14[%parallel_loop3A_388, %parallel_loop3A_389] {strides = array<i32>} : memref<100x64xf32, #tpu.memory_space<vmem>>, vector<1x16xf32>,
        %parallel_loop3A_391 = vector.shape_cast %parallel_loop3A_390 : vector<1x16xf32> to vector<16xf32>
        %parallel_loop3A_392 = arith.index_cast %parallel_loop3A_345 : i32 to index
        %parallel_loop3A_393 = arith.constant 48 : index
        %parallel_loop3A_394 = tpu.vector_load %arg7[%parallel_loop3A_392, %parallel_loop3A_393] {strides = array<i32>} : memref<200x64xf32, #tpu.memory_space<vmem>>, vector<1x16xf32>,
        %parallel_loop3A_395 = vector.shape_cast %parallel_loop3A_394 : vector<1x16xf32> to vector<16xf32>
        %parallel_loop3A_396 = arith.addf %parallel_loop3A_391, %parallel_loop3A_395 : vector<16xf32>
        %parallel_loop3A_397 = arith.index_cast %parallel_loop3A_343 : i32 to index
        %parallel_loop3A_398 = arith.constant 48 : index
        %parallel_loop3A_399 = tpu.vector_load %arg14[%parallel_loop3A_397, %parallel_loop3A_398] {strides = array<i32>} : memref<100x64xf32, #tpu.memory_space<vmem>>, vector<1x16xf32>,
        %parallel_loop3A_400 = vector.shape_cast %parallel_loop3A_399 : vector<1x16xf32> to vector<16xf32>
        %parallel_loop3A_401 = vector.shape_cast %parallel_loop3A_396 : vector<16xf32> to vector<1x16xf32>
        tpu.vector_store %arg14[%parallel_loop3A_397, %parallel_loop3A_398], %parallel_loop3A_401 {strides = array<i32>} : memref<100x64xf32, #tpu.memory_space<vmem>>, vector<1x16xf32>,
      } {sc.loop_unroll_factor = 4 : i64, sc.parallel_access}
      %mul3A_307 = arith.constant 4 : i32
      %mul3A_308 = arith.muli %add3A_214, %mul3A_307 : i32
      %add3A_309 = arith.constant 2 : i32
      %add3A_310 = arith.addi %mul3A_308, %add3A_309 : i32
      %add3A_311 = arith.addi %mul3A_2, %add3A_310 : i32
      %mul3A_312 = arith.constant 100 : i32
      %mul3A_313 = arith.muli %add3A_311, %mul3A_312 : i32
      %dma_start3A_314 = arith.constant 0 : i32
      %dma_start3A_315 = tpu.memref_slice %arg5[%mul3A_313, %dma_start3A_314] : memref<819200x128xf32, #tpu.memory_space<hbm>> -> memref<100x64xf32, #tpu.memory_space<hbm>>
      %dma_start3A_316 = arith.constant 0 : i32
      %dma_start3A_317 = tpu.memref_slice %arg5[%mul3A_313, %dma_start3A_316] : memref<819200x128xf32, #tpu.memory_space<hbm>> -> memref<100x64xf32, #tpu.memory_space<hbm>>
      tpu.enqueue_dma source(%arg14 : memref<100x64xf32, #tpu.memory_space<vmem>>) target(%dma_start3A_317 : memref<100x64xf32, #tpu.memory_space<hbm>>) target_semaphore(%arg30 : memref<!tpu.dma_semaphore, #tpu.memory_space<semaphore_mem>>)
      %dma_wait3A_318 = arith.constant 0 : i32
      %dma_wait3A_319 = arith.constant 0 : i32
      %dma_wait3A_320 = tpu.memref_slice %arg6[%dma_wait3A_318, %dma_wait3A_319] : memref<256x100xi32, #tpu.memory_space<vmem>> -> memref<1x100xi32, #tpu.memory_space<vmem>>
      %dma_wait3A_321 = tpu.memref_squeeze %dma_wait3A_320 : memref<1x100xi32, #tpu.memory_space<vmem>> -> memref<100xi32, #tpu.memory_space<vmem>>
      %dma_wait3A_322 = arith.constant 0 : i32
      %dma_wait3A_323 = arith.constant 0 : i32
      %dma_wait3A_324 = tpu.memref_slice %arg3[%dma_wait3A_322, %dma_wait3A_323] : memref<2000000x64xf32, #tpu.memory_space<hbm>> -> memref<2000000x64xf32, #tpu.memory_space<hbm>>
      tpu.wait_indirect_dma semaphore(%arg23 : memref<!tpu.dma_semaphore, #tpu.memory_space<semaphore_mem>>) src(%dma_wait3A_324 : memref<2000000x64xf32, #tpu.memory_space<hbm>>) dst(%arg15 : memref<100x64xf32, #tpu.memory_space<vmem>>)
      %mul3A_325 = arith.constant 4 : i32
      %mul3A_326 = arith.muli %add3A_214, %mul3A_325 : i32
      %add3A_327 = arith.constant 3 : i32
      %add3A_328 = arith.addi %mul3A_326, %add3A_327 : i32
      %parallel_loop3A_329 = arith.constant 0 : i32
      %parallel_loop3A_330 = arith.constant 100 : i32
      %parallel_loop3A_331 = arith.constant 1 : i32
      scf.for %parallel_loop3A_343 = %parallel_loop3A_329 to %parallel_loop3A_330 step %parallel_loop3A_331  : i32 {
        %parallel_loop3A_344 = arith.constant 100 : i32
        %parallel_loop3A_345 = arith.addi %parallel_loop3A_344, %parallel_loop3A_343 : i32
        %parallel_loop3A_346 = arith.index_cast %parallel_loop3A_343 : i32 to index
        %parallel_loop3A_347 = arith.constant 0 : index
        %parallel_loop3A_348 = tpu.vector_load %arg15[%parallel_loop3A_346, %parallel_loop3A_347] {strides = array<i32>} : memref<100x64xf32, #tpu.memory_space<vmem>>, vector<1x16xf32>,
        %parallel_loop3A_349 = vector.shape_cast %parallel_loop3A_348 : vector<1x16xf32> to vector<16xf32>
        %parallel_loop3A_350 = arith.index_cast %parallel_loop3A_345 : i32 to index
        %parallel_loop3A_351 = arith.constant 0 : index
        %parallel_loop3A_352 = tpu.vector_load %arg7[%parallel_loop3A_350, %parallel_loop3A_351] {strides = array<i32>} : memref<200x64xf32, #tpu.memory_space<vmem>>, vector<1x16xf32>,
        %parallel_loop3A_353 = vector.shape_cast %parallel_loop3A_352 : vector<1x16xf32> to vector<16xf32>
        %parallel_loop3A_354 = arith.addf %parallel_loop3A_349, %parallel_loop3A_353 : vector<16xf32>
        %parallel_loop3A_355 = arith.index_cast %parallel_loop3A_343 : i32 to index
        %parallel_loop3A_356 = arith.constant 0 : index
        %parallel_loop3A_357 = tpu.vector_load %arg15[%parallel_loop3A_355, %parallel_loop3A_356] {strides = array<i32>} : memref<100x64xf32, #tpu.memory_space<vmem>>, vector<1x16xf32>,
        %parallel_loop3A_358 = vector.shape_cast %parallel_loop3A_357 : vector<1x16xf32> to vector<16xf32>
        %parallel_loop3A_359 = vector.shape_cast %parallel_loop3A_354 : vector<16xf32> to vector<1x16xf32>
        tpu.vector_store %arg15[%parallel_loop3A_355, %parallel_loop3A_356], %parallel_loop3A_359 {strides = array<i32>} : memref<100x64xf32, #tpu.memory_space<vmem>>, vector<1x16xf32>,
        %parallel_loop3A_360 = arith.index_cast %parallel_loop3A_343 : i32 to index
        %parallel_loop3A_361 = arith.constant 16 : index
        %parallel_loop3A_362 = tpu.vector_load %arg15[%parallel_loop3A_360, %parallel_loop3A_361] {strides = array<i32>} : memref<100x64xf32, #tpu.memory_space<vmem>>, vector<1x16xf32>,
        %parallel_loop3A_363 = vector.shape_cast %parallel_loop3A_362 : vector<1x16xf32> to vector<16xf32>
        %parallel_loop3A_364 = arith.index_cast %parallel_loop3A_345 : i32 to index
        %parallel_loop3A_365 = arith.constant 16 : index
        %parallel_loop3A_366 = tpu.vector_load %arg7[%parallel_loop3A_364, %parallel_loop3A_365] {strides = array<i32>} : memref<200x64xf32, #tpu.memory_space<vmem>>, vector<1x16xf32>,
        %parallel_loop3A_367 = vector.shape_cast %parallel_loop3A_366 : vector<1x16xf32> to vector<16xf32>
        %parallel_loop3A_368 = arith.addf %parallel_loop3A_363, %parallel_loop3A_367 : vector<16xf32>
        %parallel_loop3A_369 = arith.index_cast %parallel_loop3A_343 : i32 to index
        %parallel_loop3A_370 = arith.constant 16 : index
        %parallel_loop3A_371 = tpu.vector_load %arg15[%parallel_loop3A_369, %parallel_loop3A_370] {strides = array<i32>} : memref<100x64xf32, #tpu.memory_space<vmem>>, vector<1x16xf32>,
        %parallel_loop3A_372 = vector.shape_cast %parallel_loop3A_371 : vector<1x16xf32> to vector<16xf32>
        %parallel_loop3A_373 = vector.shape_cast %parallel_loop3A_368 : vector<16xf32> to vector<1x16xf32>
        tpu.vector_store %arg15[%parallel_loop3A_369, %parallel_loop3A_370], %parallel_loop3A_373 {strides = array<i32>} : memref<100x64xf32, #tpu.memory_space<vmem>>, vector<1x16xf32>,
        %parallel_loop3A_374 = arith.index_cast %parallel_loop3A_343 : i32 to index
        %parallel_loop3A_375 = arith.constant 32 : index
        %parallel_loop3A_376 = tpu.vector_load %arg15[%parallel_loop3A_374, %parallel_loop3A_375] {strides = array<i32>} : memref<100x64xf32, #tpu.memory_space<vmem>>, vector<1x16xf32>,
        %parallel_loop3A_377 = vector.shape_cast %parallel_loop3A_376 : vector<1x16xf32> to vector<16xf32>
        %parallel_loop3A_378 = arith.index_cast %parallel_loop3A_345 : i32 to index
        %parallel_loop3A_379 = arith.constant 32 : index
        %parallel_loop3A_380 = tpu.vector_load %arg7[%parallel_loop3A_378, %parallel_loop3A_379] {strides = array<i32>} : memref<200x64xf32, #tpu.memory_space<vmem>>, vector<1x16xf32>,
        %parallel_loop3A_381 = vector.shape_cast %parallel_loop3A_380 : vector<1x16xf32> to vector<16xf32>
        %parallel_loop3A_382 = arith.addf %parallel_loop3A_377, %parallel_loop3A_381 : vector<16xf32>
        %parallel_loop3A_383 = arith.index_cast %parallel_loop3A_343 : i32 to index
        %parallel_loop3A_384 = arith.constant 32 : index
        %parallel_loop3A_385 = tpu.vector_load %arg15[%parallel_loop3A_383, %parallel_loop3A_384] {strides = array<i32>} : memref<100x64xf32, #tpu.memory_space<vmem>>, vector<1x16xf32>,
        %parallel_loop3A_386 = vector.shape_cast %parallel_loop3A_385 : vector<1x16xf32> to vector<16xf32>
        %parallel_loop3A_387 = vector.shape_cast %parallel_loop3A_382 : vector<16xf32> to vector<1x16xf32>
        tpu.vector_store %arg15[%parallel_loop3A_383, %parallel_loop3A_384], %parallel_loop3A_387 {strides = array<i32>} : memref<100x64xf32, #tpu.memory_space<vmem>>, vector<1x16xf32>,
        %parallel_loop3A_388 = arith.index_cast %parallel_loop3A_343 : i32 to index
        %parallel_loop3A_389 = arith.constant 48 : index
        %parallel_loop3A_390 = tpu.vector_load %arg15[%parallel_loop3A_388, %parallel_loop3A_389] {strides = array<i32>} : memref<100x64xf32, #tpu.memory_space<vmem>>, vector<1x16xf32>,
        %parallel_loop3A_391 = vector.shape_cast %parallel_loop3A_390 : vector<1x16xf32> to vector<16xf32>
        %parallel_loop3A_392 = arith.index_cast %parallel_loop3A_345 : i32 to index
        %parallel_loop3A_393 = arith.constant 48 : index
        %parallel_loop3A_394 = tpu.vector_load %arg7[%parallel_loop3A_392, %parallel_loop3A_393] {strides = array<i32>} : memref<200x64xf32, #tpu.memory_space<vmem>>, vector<1x16xf32>,
        %parallel_loop3A_395 = vector.shape_cast %parallel_loop3A_394 : vector<1x16xf32> to vector<16xf32>
        %parallel_loop3A_396 = arith.addf %parallel_loop3A_391, %parallel_loop3A_395 : vector<16xf32>
        %parallel_loop3A_397 = arith.index_cast %parallel_loop3A_343 : i32 to index
        %parallel_loop3A_398 = arith.constant 48 : index
        %parallel_loop3A_399 = tpu.vector_load %arg15[%parallel_loop3A_397, %parallel_loop3A_398] {strides = array<i32>} : memref<100x64xf32, #tpu.memory_space<vmem>>, vector<1x16xf32>,
        %parallel_loop3A_400 = vector.shape_cast %parallel_loop3A_399 : vector<1x16xf32> to vector<16xf32>
        %parallel_loop3A_401 = vector.shape_cast %parallel_loop3A_396 : vector<16xf32> to vector<1x16xf32>
        tpu.vector_store %arg15[%parallel_loop3A_397, %parallel_loop3A_398], %parallel_loop3A_401 {strides = array<i32>} : memref<100x64xf32, #tpu.memory_space<vmem>>, vector<1x16xf32>,
      } {sc.loop_unroll_factor = 4 : i64, sc.parallel_access}
      %mul3A_332 = arith.constant 4 : i32
      %mul3A_333 = arith.muli %add3A_214, %mul3A_332 : i32
      %add3A_334 = arith.constant 3 : i32
      %add3A_335 = arith.addi %mul3A_333, %add3A_334 : i32
      %add3A_336 = arith.addi %mul3A_2, %add3A_335 : i32
      %mul3A_337 = arith.constant 100 : i32
      %mul3A_338 = arith.muli %add3A_336, %mul3A_337 : i32
      %dma_start3A_339 = arith.constant 0 : i32
      %dma_start3A_340 = tpu.memref_slice %arg5[%mul3A_338, %dma_start3A_339] : memref<819200x128xf32, #tpu.memory_space<hbm>> -> memref<100x64xf32, #tpu.memory_space<hbm>>
      %dma_start3A_341 = arith.constant 0 : i32
      %dma_start3A_342 = tpu.memref_slice %arg5[%mul3A_338, %dma_start3A_341] : memref<819200x128xf32, #tpu.memory_space<hbm>> -> memref<100x64xf32, #tpu.memory_space<hbm>>
      tpu.enqueue_dma source(%arg15 : memref<100x64xf32, #tpu.memory_space<vmem>>) target(%dma_start3A_342 : memref<100x64xf32, #tpu.memory_space<hbm>>) target_semaphore(%arg31 : memref<!tpu.dma_semaphore, #tpu.memory_space<semaphore_mem>>)
    }
    %scan3A_34 = arith.constant 32 : i32
    %dma_wait3A = arith.constant 0 : i32
    %dma_wait3A_35 = arith.constant 0 : i32
    %dma_wait3A_36 = tpu.memref_slice %arg5[%dma_wait3A, %dma_wait3A_35] : memref<819200x128xf32, #tpu.memory_space<hbm>> -> memref<100x64xf32, #tpu.memory_space<hbm>>
    %dma_wait3A_37 = arith.constant 0 : i32
    %dma_wait3A_38 = arith.constant 0 : i32
    %dma_wait3A_39 = tpu.memref_slice %arg5[%dma_wait3A_37, %dma_wait3A_38] : memref<819200x128xf32, #tpu.memory_space<hbm>> -> memref<100x64xf32, #tpu.memory_space<hbm>>
    tpu.wait_dma2 semaphore(%arg24 : memref<!tpu.dma_semaphore, #tpu.memory_space<semaphore_mem>>) src(%arg8 : memref<100x64xf32, #tpu.memory_space<vmem>>) dst(%dma_wait3A_39 : memref<100x64xf32, #tpu.memory_space<hbm>>)
    %dma_wait3A_40 = arith.constant 0 : i32
    %dma_wait3A_41 = arith.constant 0 : i32
    %dma_wait3A_42 = tpu.memref_slice %arg5[%dma_wait3A_40, %dma_wait3A_41] : memref<819200x128xf32, #tpu.memory_space<hbm>> -> memref<100x64xf32, #tpu.memory_space<hbm>>
    %dma_wait3A_43 = arith.constant 0 : i32
    %dma_wait3A_44 = arith.constant 0 : i32
    %dma_wait3A_45 = tpu.memref_slice %arg5[%dma_wait3A_43, %dma_wait3A_44] : memref<819200x128xf32, #tpu.memory_space<hbm>> -> memref<100x64xf32, #tpu.memory_space<hbm>>
    tpu.wait_dma2 semaphore(%arg25 : memref<!tpu.dma_semaphore, #tpu.memory_space<semaphore_mem>>) src(%arg9 : memref<100x64xf32, #tpu.memory_space<vmem>>) dst(%dma_wait3A_45 : memref<100x64xf32, #tpu.memory_space<hbm>>)
    %dma_wait3A_46 = arith.constant 0 : i32
    %dma_wait3A_47 = arith.constant 0 : i32
    %dma_wait3A_48 = tpu.memref_slice %arg5[%dma_wait3A_46, %dma_wait3A_47] : memref<819200x128xf32, #tpu.memory_space<hbm>> -> memref<100x64xf32, #tpu.memory_space<hbm>>
    %dma_wait3A_49 = arith.constant 0 : i32
    %dma_wait3A_50 = arith.constant 0 : i32
    %dma_wait3A_51 = tpu.memref_slice %arg5[%dma_wait3A_49, %dma_wait3A_50] : memref<819200x128xf32, #tpu.memory_space<hbm>> -> memref<100x64xf32, #tpu.memory_space<hbm>>
    tpu.wait_dma2 semaphore(%arg26 : memref<!tpu.dma_semaphore, #tpu.memory_space<semaphore_mem>>) src(%arg10 : memref<100x64xf32, #tpu.memory_space<vmem>>) dst(%dma_wait3A_51 : memref<100x64xf32, #tpu.memory_space<hbm>>)
    %dma_wait3A_52 = arith.constant 0 : i32
    %dma_wait3A_53 = arith.constant 0 : i32
    %dma_wait3A_54 = tpu.memref_slice %arg5[%dma_wait3A_52, %dma_wait3A_53] : memref<819200x128xf32, #tpu.memory_space<hbm>> -> memref<100x64xf32, #tpu.memory_space<hbm>>
    %dma_wait3A_55 = arith.constant 0 : i32
    %dma_wait3A_56 = arith.constant 0 : i32
    %dma_wait3A_57 = tpu.memref_slice %arg5[%dma_wait3A_55, %dma_wait3A_56] : memref<819200x128xf32, #tpu.memory_space<hbm>> -> memref<100x64xf32, #tpu.memory_space<hbm>>
    tpu.wait_dma2 semaphore(%arg27 : memref<!tpu.dma_semaphore, #tpu.memory_space<semaphore_mem>>) src(%arg11 : memref<100x64xf32, #tpu.memory_space<vmem>>) dst(%dma_wait3A_57 : memref<100x64xf32, #tpu.memory_space<hbm>>)
    %dma_wait3A_58 = arith.constant 0 : i32
    %dma_wait3A_59 = arith.constant 0 : i32
    %dma_wait3A_60 = tpu.memref_slice %arg5[%dma_wait3A_58, %dma_wait3A_59] : memref<819200x128xf32, #tpu.memory_space<hbm>> -> memref<100x64xf32, #tpu.memory_space<hbm>>
    %dma_wait3A_61 = arith.constant 0 : i32
    %dma_wait3A_62 = arith.constant 0 : i32
    %dma_wait3A_63 = tpu.memref_slice %arg5[%dma_wait3A_61, %dma_wait3A_62] : memref<819200x128xf32, #tpu.memory_space<hbm>> -> memref<100x64xf32, #tpu.memory_space<hbm>>
    tpu.wait_dma2 semaphore(%arg28 : memref<!tpu.dma_semaphore, #tpu.memory_space<semaphore_mem>>) src(%arg12 : memref<100x64xf32, #tpu.memory_space<vmem>>) dst(%dma_wait3A_63 : memref<100x64xf32, #tpu.memory_space<hbm>>)
    %dma_wait3A_64 = arith.constant 0 : i32
    %dma_wait3A_65 = arith.constant 0 : i32
    %dma_wait3A_66 = tpu.memref_slice %arg5[%dma_wait3A_64, %dma_wait3A_65] : memref<819200x128xf32, #tpu.memory_space<hbm>> -> memref<100x64xf32, #tpu.memory_space<hbm>>
    %dma_wait3A_67 = arith.constant 0 : i32
    %dma_wait3A_68 = arith.constant 0 : i32
    %dma_wait3A_69 = tpu.memref_slice %arg5[%dma_wait3A_67, %dma_wait3A_68] : memref<819200x128xf32, #tpu.memory_space<hbm>> -> memref<100x64xf32, #tpu.memory_space<hbm>>
    tpu.wait_dma2 semaphore(%arg29 : memref<!tpu.dma_semaphore, #tpu.memory_space<semaphore_mem>>) src(%arg13 : memref<100x64xf32, #tpu.memory_space<vmem>>) dst(%dma_wait3A_69 : memref<100x64xf32, #tpu.memory_space<hbm>>)
    %dma_wait3A_70 = arith.constant 0 : i32
    %dma_wait3A_71 = arith.constant 0 : i32
    %dma_wait3A_72 = tpu.memref_slice %arg5[%dma_wait3A_70, %dma_wait3A_71] : memref<819200x128xf32, #tpu.memory_space<hbm>> -> memref<100x64xf32, #tpu.memory_space<hbm>>
    %dma_wait3A_73 = arith.constant 0 : i32
    %dma_wait3A_74 = arith.constant 0 : i32
    %dma_wait3A_75 = tpu.memref_slice %arg5[%dma_wait3A_73, %dma_wait3A_74] : memref<819200x128xf32, #tpu.memory_space<hbm>> -> memref<100x64xf32, #tpu.memory_space<hbm>>
    tpu.wait_dma2 semaphore(%arg30 : memref<!tpu.dma_semaphore, #tpu.memory_space<semaphore_mem>>) src(%arg14 : memref<100x64xf32, #tpu.memory_space<vmem>>) dst(%dma_wait3A_75 : memref<100x64xf32, #tpu.memory_space<hbm>>)
    %dma_wait3A_76 = arith.constant 0 : i32
    %dma_wait3A_77 = arith.constant 0 : i32
    %dma_wait3A_78 = tpu.memref_slice %arg5[%dma_wait3A_76, %dma_wait3A_77] : memref<819200x128xf32, #tpu.memory_space<hbm>> -> memref<100x64xf32, #tpu.memory_space<hbm>>
    %dma_wait3A_79 = arith.constant 0 : i32
    %dma_wait3A_80 = arith.constant 0 : i32
    %dma_wait3A_81 = tpu.memref_slice %arg5[%dma_wait3A_79, %dma_wait3A_80] : memref<819200x128xf32, #tpu.memory_space<hbm>> -> memref<100x64xf32, #tpu.memory_space<hbm>>
    tpu.wait_dma2 semaphore(%arg31 : memref<!tpu.dma_semaphore, #tpu.memory_space<semaphore_mem>>) src(%arg15 : memref<100x64xf32, #tpu.memory_space<vmem>>) dst(%dma_wait3A_81 : memref<100x64xf32, #tpu.memory_space<hbm>>)
    return
  }
}

</mosaic_0001>

<sc_bundles>
// kernel: _emb_lookup.3.cloned.1.call-start
scs
__scs_entry_jumppad:
0x0: {  	(pc) =	sbr.rel $0x88, $3  }
0x1: {  	(tag) =	ssettag $0x0;
	lr =	simm.s32 $0x1  }
0x2: {  	[smem:$0x3F9E] =	sst lr;
	_ =	strace $0xD0000000  }
0x3: {  	_ = 	snop  }
0x4: {  	_ = 	snop  }
0x5: {  	_ = 	snop  }
0x6: {  	_ = 	snop  }
0x7: {  	_ = 	snop  }
__scs_overlays_trampoline_lowered:
0x8: {  	[smem:$0x3FAD] =	sst s0  }
0x9: {  	[smem:$0x3FAE] =	sst s1  }
0xa: {  	[smem:$0x3FAF] =	sst s2  }
0xb: {  	[smem:$0x3FB0] =	sst s3  }
0xc: {  	[smem:$0x3FB1] =	sst s4  }
0xd: {  	[smem:$0x3FB2] =	sst s5  }
0xe: {  	[smem:$0x3FB3] =	sst s6  }
0xf: {  	[smem:$0x3FB4] =	sst s7  }
0x10: {  	[smem:$0x3FB5] =	sst s8  }
0x11: {  	[smem:$0x3FB6] =	sst s9;
	s0 =	simm.s32 @!p0 $0x0  }
0x12: {  	s1 =	sld [smem:$0x3F9C];
	s0 =	simm.s32 @p0 $0x1  }
0x13: {  	[smem:$0x3FB7] =	sst s0;
	s0 =	simm.s32 @!p1 $0x0  }
0x14: {  	s2 =	sld [smem:$0x3F9B];
	s0 =	simm.s32 @p1 $0x1  }
0x15: {  	[smem:$0x3FB8] =	sst s0;
	s0 =	simm.s32 @!p2 $0x0  }
0x16: {  	s3 =	sld [smem:$0x3FDB];
	s0 =	simm.s32 @p2 $0x1  }
0x17: {  	s4 =	simm.s32 $0x1BF5;
	[smem:$0x3FBA] =	sst s0  }
0x18: {  	s0 =	sld [smem:$0x3F9D];
	_ =	swait.ge [sflag:s4], $0x0  }
0x19: {  	s7 =	sld [smem:$0x3F9E]  }
0x1a: {  	s8 =	sadd.s32 $0xFFFFE003, lr  }
0x1b: {  	s9 =	sadd.s32 $0xFFFFFEF7, lr;
	s5 =	simm.s32 $0xFFFFFFFF;
	p2 =	slt.u32 s8, $0xFFFFF086  }
0x1c: {  	p1 =	slt.u32 s9, $0xF7A;
	s5 =	simm.s32 @!p2 $0x0  }
0x1d: {  	s5 =	simm.s32 @p1 $0x1;
	p0 =	seq.s32 s7, s2  }
0x1e: {  	s7 =	smul.u32 @!p0 $0xF7A, s2;
	p2 =	seq.s32 @!p0 s5, $0x0  }
0x1f: {  	s9 =	smul.u32 $0xF7A, s1;
	s8 =	simm.s32 @!p0 $0x1BF5;
	p2 =	por !p2, p0  }
0x20: {  	[sflag:s8] =	ssyncset.s32 @!p0 $0xFFFFF086;
	s6 =	sadd.s32 @!p0 s3, s7;
	s7 =	simm.s32 @!p0 $0x108  }
0x21: {  	s3 =	sadd.s32 s3, s9;
	s6 =	sadd.s32 @!p0 $0x88, s6;
	s7 =	simm.s32 @p2 $0x1082  }
0x22: {  	[simem:s7], [sflag:s8] =	dma.local @!p0 [hbm:s6], $0xF7A  }
0x23: {  	s9 =	sor.u32 $0xD0000000, s2;
	s6 =	simm.s32 $0x108;
	_ =	swait.ge @!p0 [sflag:s8], $0x0  }
0x24: {  	s3 =	sadd.s32 $0x88, s3;
	s6 =	simm.s32 @!p1 $0x1082;
	[sflag:s4] =	ssyncset.s32 $0xFFFFF086  }
0x25: {  	[simem:s6], [sflag:s4] =	dma.local [hbm:s3], $0xF7A  }
0x26: {  	[smem:$0x3F9E] =	sst s1;
	(tag) =	ssettag s2;
	_ =	strace s9  }
0x27: {  	s1 =	sld [smem:$0x3FAE]  }
0x28: {  	s2 =	sld [smem:$0x3FAF]  }
0x29: {  	s4 =	sld [smem:$0x3FB1]  }
0x2a: {  	p0 =	seq.s32 s5, $0x0;
	s5 =	sld [smem:$0x3FB2]  }
0x2b: {  	s6 =	sld [smem:$0x3FB3]  }
0x2c: {  	s7 =	sld [smem:$0x3FB4]  }
0x2d: {  	s3 =	simm.s32 $0x108;
	s8 =	sld [smem:$0x3FB5]  }
0x2e: {  	s3 =	simm.s32 @!p0 $0x1082;
	s9 =	sld [smem:$0x3FB6]  }
0x2f: {  	lr =	sadd.s32 s0, s3;
	s0 =	sld [smem:$0x3FAD]  }
0x30: {  	s3 =	sld [smem:$0x3FB0]  }
0x31: {  	[smem:$0x3FB9] =	sst s10  }
0x32: {  	s10 =	sld [smem:$0x3FB7];
	_ =	sdelay $0x3  }
0x33: {  	p0 =	seq.s32 s10, $0x1;
	s10 =	sld [smem:$0x3FB9];
	_ =	sdelay $0x3  }
0x34: {  	[smem:$0x3FB9] =	sst s10  }
0x35: {  	s10 =	sld [smem:$0x3FB8];
	_ =	sdelay $0x3  }
0x36: {  	p1 =	seq.s32 s10, $0x1;
	s10 =	sld [smem:$0x3FB9];
	_ =	sdelay $0x3  }
0x37: {  	[smem:$0x3FB9] =	sst s10  }
0x38: {  	s10 =	sld [smem:$0x3FBA]  }
0x39: {  	_ = 	snop;
	(pc) =	sbr.ind lr, $3  }
0x3a: {  	_ = 	snop  }
0x3b: {  	_ = 	snop  }
0x3c: {  	p2 =	seq.s32 s10, $0x1;
	s10 =	sld [smem:$0x3FB9]  }
0x3d: {  	_ =	shalt  }
0x3e: {  	_ =	shalt  }
0x3f: {  	_ =	shalt  }
0x40: {  	_ =	shalt  }
0x41: {  	_ =	shalt  }
0x42: {  	_ =	shalt  }
0x43: {  	_ =	shalt  }
0x44: {  	_ =	shalt  }
0x45: {  	_ =	shalt  }
0x46: {  	_ =	shalt  }
0x47: {  	_ =	shalt  }
0x48: {  	_ =	shalt  }
0x49: {  	_ =	shalt  }
0x4a: {  	_ =	shalt  }
0x4b: {  	_ =	shalt  }
0x4c: {  	_ =	shalt  }
0x4d: {  	_ =	shalt  }
0x4e: {  	_ =	shalt  }
0x4f: {  	_ =	shalt  }
0x50: {  	_ =	shalt  }
0x51: {  	_ =	shalt  }
0x52: {  	_ =	shalt  }
0x53: {  	_ =	shalt  }
0x54: {  	_ =	shalt  }
0x55: {  	_ =	shalt  }
0x56: {  	_ =	shalt  }
0x57: {  	_ =	shalt  }
0x58: {  	_ =	shalt  }
0x59: {  	_ =	shalt  }
0x5a: {  	_ =	shalt  }
0x5b: {  	_ =	shalt  }
0x5c: {  	_ =	shalt  }
0x5d: {  	_ =	shalt  }
0x5e: {  	_ =	shalt  }
0x5f: {  	_ =	shalt  }
0x60: {  	_ =	shalt  }
0x61: {  	_ =	shalt  }
0x62: {  	_ =	shalt  }
0x63: {  	_ =	shalt  }
0x64: {  	_ =	shalt  }
0x65: {  	_ =	shalt  }
0x66: {  	_ =	shalt  }
0x67: {  	_ =	shalt  }
0x68: {  	_ =	shalt  }
0x69: {  	_ =	shalt  }
0x6a: {  	_ =	shalt  }
0x6b: {  	_ =	shalt  }
0x6c: {  	_ =	shalt  }
0x6d: {  	_ =	shalt  }
0x6e: {  	_ =	shalt  }
0x6f: {  	_ =	shalt  }
0x70: {  	_ =	shalt  }
0x71: {  	_ =	shalt  }
0x72: {  	_ =	shalt  }
0x73: {  	_ =	shalt  }
0x74: {  	_ =	shalt  }
0x75: {  	_ =	shalt  }
0x76: {  	_ =	shalt  }
0x77: {  	_ =	shalt  }
0x78: {  	_ =	shalt  }
0x79: {  	_ =	shalt  }
0x7a: {  	_ =	shalt  }
0x7b: {  	_ =	shalt  }
0x7c: {  	_ =	shalt  }
0x7d: {  	_ =	shalt  }
0x7e: {  	_ =	shalt  }
0x7f: {  	_ =	shalt  }
0x80: {  	_ =	shalt  }
0x81: {  	_ =	shalt  }
0x82: {  	_ =	shalt  }
0x83: {  	_ =	shalt  }
0x84: {  	_ =	shalt  }
0x85: {  	_ =	shalt  }
0x86: {  	_ =	shalt  }
0x87: {  	_ =	shalt  }
.Lfunc_end0:
.L_simem_size_0:
called_computation_lowered:
.L_overlay_start_0:
0x88: {  	s2 =	sld [smem:$0x3FD9]  }
0x89: {  	s3 =	sld [smem:$0x3FFE];
	_ =	sdelay $0x1  }
0x8a: {  	s1 =	srdreg.scid  }
0x8b: {  	s0 =	sand.u32 $0x1, s1  }
0x8c: {  	s17 =	sshll.u32 s0, $0xA;
	s2 =	sadd.s32 s3, s2  }
0x8d: {  	s2 =	sadd.s32 s2, s17  }
0x8e: {  	[smem:$0x3FC5] =	sst s2  }
0x8f: {  	_ = 	snop  }
0x90: {  	s2 =	sld [smem:$0x3FD0];
	(tm) =	ssettm $0x1  }
0x91: {  	s18 =	sld [smem:$0x3FFB];
	_ =	sdelay $0x3  }
0x92: {  	_ =	strace s18  }
0x93: {  	s3 =	sld [smem:$0x3FFC];
	_ =	sdelay $0x3  }
0x94: {  	_ =	strace s3  }
0x95: {  	s3 =	sld [smem:$0x3FFD];
	_ =	sdelay $0x3  }
0x96: {  	_ =	strace s3  }
0x97: {  	_ =	strace $0x8FFFFFFF  }
0x98: {  	s19 =	sld [smem:$0x3FDB];
	_ =	sdelay $0x1  }
0x99: {  	s4 =	simm.s32 $_scs_section_size  }
0x9a: {  	s5 =	simm.s32 $_size__tile_overlayer_lowered;
	s6 =	simm.s32 $_tile_overlayer_lowered  }
0x9b: {  	s22 =	simm.s32 $0x1BFF;
	s21 =	sshll.u32 s6, $0x1;
	s3 =	sadd.s32 s4, s19  }
0x9c: {  	s7 =	simm.s32 $0x0;
	s20 =	sshll.u32 s5, $0x1;
	s5 =	sadd.s32 s21, s3  }
0x9d: {  	[timem:s7], [sflag:s22] =	dma.local [hbm:s5], s20  }
0x9e: {  	_ =	swait.ge [sflag:s22], s20  }
0x9f: {  	s4 =	ssub.s32 $0x0, s20;
	[sflag:s22] =	ssyncset.done $0x0  }
0xa0: {  	[sflag:s22] =	ssyncadd.s32 s4;
	_ =	sdelay $0x1  }
0xa1: {  	s23 =	simm.s32 $0x1B8B  }
0xa2: {  	_ =	swait.ge [sflag:s23], $0x1  }
0xa3: {  	[sflag:s23] =	ssyncset.done $0x0  }
0xa4: {  	s25 =	simm.s32 $0x1B8E;
	s24 =	sld [smem:$0x3FFE];
	[sflag:s23] =	ssyncadd.s32 $0xFFFFFFFF  }
0xa5: {  	s26 =	simm.s32 $execute0_lowered;
	[smem:$0x3FD2] =	sst s25  }
0xa6: {  	s5 =	sshll.u32 s26, $0x1;
	_ =	strace $0x80000046;
	[dreg:$0x1] =	wrdreg $0xFFFFFFFF  }
0xa7: {  	s28 =	simm.s32 $_size_execute0_lowered;
	s3 =	sadd.s32 s3, s5;
	[dreg:$0x0] =	wrdreg $0x0  }
0xa8: {  	s5 =	sshll.u32 s28, $0x1;
	[dreg:$0x2] =	wrdreg s3  }
0xa9: {  	[dreg:$0x3] =	wrdreg s5  }
0xaa: {  	[dreg:$0x4] =	wrdreg $0xC0  }
0xab: {  	_ =	task [dreg:s7], $0x5FFFF  }
0xac: {  	[dreg:$0x1] =	wrdreg $0xFFFFFFFF  }
0xad: {  	[dreg:$0x0] =	wrdreg $0x60  }
0xae: {  	[dreg:$0x2] =	wrdreg s24  }
0xaf: {  	[dreg:$0x3] =	wrdreg s2  }
0xb0: {  	[dreg:$0x4] =	wrdreg $0x9  }
0xb1: {  	_ =	task.clear_ibuf [dreg:s7], $0x5FFFF;
	_ =	strace $0x90000046  }
0xb2: {  	s29 =	simm.s32 $0x9;
	_ =	strace $0x80000048  }
0xb3: {  	_ =	swait.ge [sflag:s29], $0x1  }
0xb4: {  	[sflag:s29] =	ssyncadd.s32 $0xFFFFFFFF  }
0xb5: {  	_ =	strace $0x90000048  }
0xb6: {  	_ =	sfence  }
0xb7: {  	s30 =	sld [smem:$0x0];
	_ =	sdelay $0x2  }
0xb8: {  	s31 =	sshll.u32 s1, $0xD;
	s1 =	sshrl.u32 s1, $0x2  }
0xb9: {  	s3 =	sand.u32 $0x4000, s31;
	s1 =	sadd.s32 s1, s30  }
0xba: {  	s0 =	sor.u32 s3, s0;
	s1 =	sshll.u32 s1, $0x11  }
0xbb: {  	s0 =	sor.u32 s1, s0  }
0xbc: {  	s0 =	sadd.s32 $0x8F2B, s0  }
0xbd: {  	[sflag:s0] =	ssyncadd.remote.s32 $0x1  }
0xbe: {  	_ =	sfence.sel $0xFFFF  }
0xbf: {  	[dreg:$0x0] =	wrdreg $0xFFFFFFFF;
	(pc) =	sbr.abs _section_cstart, $3  }
0xc0: {  	[dreg:$0x1] =	wrdreg $0xFFFFFFFF  }
0xc1: {  	_ =	task.clear_ibuf [dreg:s7], $0x2FFFF;
	_ =	strace $0x9FFFFFFF  }
0xc2: {  	(tm) =	ssettm $0x7FFFFFFF  }
0xc3: {  	_ =	shalt  }
tec
execute0_lowered:
.L_overlay_start_1:
0x0: {  	(tag) =	ssettag $0x1  }
0x1: {  	s0 =	srdreg.scid;
	s1 =	rddreg [dreg:$0x0]  }
0x2: {  	s3 =	stileid.u32;
	s2 =	rddreg [dreg:$0x1]  }
0x3: {  	s5 =	simm.s32 $0x0;
	s11 =	simm.s32 $0x64;
	s12 =	simm.s32 $0x9A00  }
0x4: {  	s14 =	simm.s32 $0xB300;
	s16 =	simm.s32 $0xCC00;
	s18 =	simm.s32 $0xE500  }
0x5: {  	s19 =	simm.s32 $0x14900;
	s20 =	simm.s32 $0x1;
	s21 =	simm.s32 $0x40  }
0x6: {  	s22 =	simm.s32 $0x80;
	s23 =	simm.s32 $0x2;
	s24 =	simm.s32 $0x3  }
0x7: {  	s25 =	simm.s32 $0x4;
	s28 =	simm.s32 $0xFE00;
	s29 =	simm.s32 $0x6  }
0x8: {  	s30 =	simm.s32 $0x11700;
	s31 =	simm.s32 $0x7;
	s0 =	sand.u32 $0x1, s0  }
0x9: {  	s3 =	sshll.u32 s3, $0x9;
	s4 =	sshll.u32 s0, $0x8;
	s0 =	ssub.s32 $0x2, s0  }
0xa: {  	s10 =	simm.s32 $0x0;
	s4 =	sor.u32 s4, s3;
	s6 =	sshrl.u32 s0, $0x1  }
0xb: {  	[smem:$0x7FF] =	sst s5;
	s3 =	smul.u32 $0xD, s4;
	s0 =	ssub.s32 s0, s6  }
0xc: {  	s5 =	sadd.s32 $0x1E85000, s1;
	_ =	strace $0x80000047;
	s0 =	smax.u32 s0, $0x1  }
0xd: {  	s3 =	sadd.s32 s3, s1;
	s1 =	sadd.s32 $0x1A800, s1;
	[dreg:$0x5] =	wrdreg s0  }
0xe: {  	s0 =	simm.s32 $0x8;
	[dreg:$0x3] =	wrdreg s1;
	s26 =	sadd.s32 $0x800, s3  }
0xf: {  	s1 =	simm.s32 $0x13000;
	[dreg:$0x4] =	wrdreg s26;
	s26 =	simm.s32 $0x5  }
.LBB2_1:
0x10: {  	s3 =	simm.s32 $0x0;
	s6 =	rddreg [dreg:$0x4];
	s7 =	simm.s32 $0x11  }
0x11: {  	[tilespmem:s3], [sflag:$0x11] =	stream.linear.gather [hbm4b:s6+s3], $0x6800, $0x38;
	[tilespmem:$0x16200] =	vst v63  }
0x12: {  	_ =	swait.ge [sflag:s7], $0x6800  }
0x13: {  	[sflag:s7] =	ssyncset.done $0x0  }
0x14: {  	s8 =	simm.s32 $0x6800;
	s9 =	rddreg [dreg:$0x3];
	[sflag:s7] =	ssyncadd.s32 $0xFFFF9800  }
0x15: {  	[tilespmem:s8], [sflag:$0x11] =	stream.linear.gather [hbm4b:s9+s3], $0x3200, $0x38;
	[tilespmem:$0x16200] =	vst v63  }
0x16: {  	_ =	swait.ge [sflag:s7], $0x3200  }
0x17: {  	[sflag:s7] =	ssyncset.done $0x0  }
0x18: {  	[sflag:s7] =	ssyncadd.s32 $0xFFFFCE00  }
0x19: {  	[tilespmem:s12], [sflag:$0x1] =	stream.indirect.gather [hbm4b:s5+s11], $0x40, s3, s11, $0xb8;
	[tilespmem:$0x16200] =	vst v63  }
0x1a: {  	s13 =	simm.s32 $0x68  }
0x1b: {  	[tilespmem:s14], [sflag:$0x2] =	stream.indirect.gather [hbm4b:s5+s11], $0x40, s13, s11, $0xb8;
	[tilespmem:$0x16200] =	vst v63  }
0x1c: {  	s15 =	simm.s32 $0xD0  }
0x1d: {  	[tilespmem:s16], [sflag:$0x3] =	stream.indirect.gather [hbm4b:s5+s11], $0x40, s15, s11, $0xb8;
	[tilespmem:$0x16200] =	vst v63  }
0x1e: {  	s17 =	simm.s32 $0x138;
	s13 =	simm.s32 $0x0  }
0x1f: {  	[tilespmem:s18], [sflag:$0x4] =	stream.indirect.gather [hbm4b:s5+s11], $0x40, s17, s11, $0xb8;
	[tilespmem:$0x16200] =	vst v63  }
.LBB2_2:
0x20: {  	s15 =	sshllo.u32 s13, $0x1;
	p0 =	seq.s32 s13, $0x0  }
0x21: {  	s3 =	smul.u32 @p0 $0x680, s15;
	_ =	sdelay $0x1  }
0x22: {  	s7 =	simm.s32 @p0 $0x64;
	s8 =	simm.s32 @p0 $0xFE00;
	s6 =	sshra.s32 @p0 s3, $0x2  }
0x23: {  	[tilespmem:s8], [sflag:$0x5] =	stream.indirect.gather @p0 [hbm4b:s5+s7], $0x40, s6, s7, $0xb8;
	[tilespmem:$0x16200] =	vst v63  }
0x24: {  	s17 =	simm.s32 @p0 $0x11700;
	s8 =	sadd.s32 @p0 $0x68, s6  }
0x25: {  	[tilespmem:s17], [sflag:$0x6] =	stream.indirect.gather @p0 [hbm4b:s5+s7], $0x40, s8, s7, $0xb8;
	[tilespmem:$0x16200] =	vst v63  }
0x26: {  	s6 =	sadd.s32 @p0 $0xD0, s6;
	s8 =	simm.s32 @p0 $0x13000  }
0x27: {  	[tilespmem:s8], [sflag:$0x7] =	stream.indirect.gather @p0 [hbm4b:s5+s7], $0x40, s6, s7, $0xb8;
	[tilespmem:$0x16200] =	vst v63  }
0x28: {  	s6 =	simm.s32 @!p0 $0xD  }
0x29: {  	s7 =	smul.u32 @!p0 $0x680, s15;
	_ =	swait.ge @!p0 [sflag:s6], $0x1900  }
0x2a: {  	s17 =	simm.s32 @!p0 $0xFE00;
	[sflag:s6] =	ssyncset.done @!p0 $0x0  }
0x2b: {  	s8 =	simm.s32 @!p0 $0x64;
	[sflag:s6] =	ssyncadd.s32 @!p0 $0xFFFFE700;
	s6 =	sshra.s32 @!p0 s7, $0x2  }
0x2c: {  	[tilespmem:s17], [sflag:$0x5] =	stream.indirect.gather @!p0 [hbm4b:s5+s8], $0x40, s6, s8, $0xb8;
	[tilespmem:$0x16200] =	vst v63  }
0x2d: {  	s17 =	simm.s32 @!p0 $0xE  }
0x2e: {  	_ =	swait.ge @!p0 [sflag:s17], $0x1900  }
0x2f: {  	[sflag:s17] =	ssyncset.done @!p0 $0x0  }
0x30: {  	s9 =	simm.s32 @!p0 $0x11700;
	[sflag:s17] =	ssyncadd.s32 @!p0 $0xFFFFE700;
	s17 =	sadd.s32 @!p0 $0x68, s6  }
0x31: {  	[tilespmem:s9], [sflag:$0x6] =	stream.indirect.gather @!p0 [hbm4b:s5+s8], $0x40, s17, s8, $0xb8;
	[tilespmem:$0x16200] =	vst v63  }
0x32: {  	s9 =	simm.s32 @!p0 $0xF  }
0x33: {  	_ =	swait.ge @!p0 [sflag:s9], $0x1900  }
0x34: {  	[sflag:s9] =	ssyncset.done @!p0 $0x0  }
0x35: {  	s6 =	sadd.s32 @!p0 $0xD0, s6;
	[sflag:s9] =	ssyncadd.s32 @!p0 $0xFFFFE700;
	s9 =	simm.s32 @!p0 $0x13000  }
0x36: {  	[tilespmem:s9], [sflag:$0x7] =	stream.indirect.gather @!p0 [hbm4b:s5+s8], $0x40, s6, s8, $0xb8;
	[tilespmem:$0x16200] =	vst v63  }
0x37: {  	s6 =	simm.s32 @!p0 $0x10  }
0x38: {  	s7 =	smov.u32 @p0 s3;
	_ =	swait.ge @!p0 [sflag:s6], $0x1900  }
0x39: {  	s3 =	sshra.s32 s7, $0x2;
	[sflag:s6] =	ssyncset.done @!p0 $0x0  }
0x3a: {  	s3 =	sadd.s32 $0x138, s3;
	[sflag:s6] =	ssyncadd.s32 @!p0 $0xFFFFE700  }
0x3b: {  	[tilespmem:s19], [sflag:$0x8] =	stream.indirect.gather [hbm4b:s5+s11], $0x40, s3, s11, $0xb8;
	[tilespmem:$0x16200] =	vst v63  }
0x3c: {  	_ =	swait.ge [sflag:s20], $0x1900  }
0x3d: {  	[sflag:s20] =	ssyncset.done $0x0  }
0x3e: {  	s6 =	simm.s32 $0x9A80;
	[sflag:s20] =	ssyncadd.s32 $0xFFFFE700  }
0x3f: {  	s17 =	simm.s32 $0x6880;
	v0 =	vld [tilespmem:s6+$0x40]  }
0x40: {  	v1 =	vld [tilespmem:s17+$0x40]  }
0x41: {  	v2 =	vld [tilespmem:s6+$0xFFFFFFC0]  }
0x42: {  	v3 =	vld [tilespmem:s17+$0xFFFFFFC0]  }
0x43: {  	v4 =	vld [tilespmem:s6+$0x0]  }
0x44: {  	v5 =	vld [tilespmem:s17+$0x0]  }
0x45: {  	v6 =	vld [tilespmem:s6+$0xFFFFFF80];
	v0 =	vadd.f32 v1, v0  }
0x46: {  	v1 =	vld [tilespmem:s17+$0xFFFFFF80]  }
0x47: {  	[tilespmem:s6+$0x40] =	vst v0;
	v0 =	vld [tilespmem:s6+$0x50]  }
0x48: {  	v2 =	vadd.f32 v3, v2;
	v3 =	vld [tilespmem:s17+$0x50]  }
0x49: {  	v7 =	vld [tilespmem:s6+$0xFFFFFF90]  }
0x4a: {  	[tilespmem:s6+$0xFFFFFFC0] =	vst v2;
	v2 =	vadd.f32 v5, v4;
	v4 =	vld [tilespmem:s6+$0xFFFFFFD0]  }
0x4b: {  	v5 =	vld [tilespmem:s17+$0xFFFFFFD0];
	v1 =	vadd.f32 v1, v6  }
0x4c: {  	[tilespmem:s6+$0x0] =	vst v2;
	v2 =	vld [tilespmem:s6+$0x10]  }
0x4d: {  	v6 =	vld [tilespmem:s17+$0x10];
	[tilespmem:s6+$0xFFFFFF80] =	vst v1;
	v0 =	vadd.f32 v3, v0  }
0x4e: {  	v1 =	vld [tilespmem:s17+$0xFFFFFF90]  }
0x4f: {  	[tilespmem:s6+$0x50] =	vst v0;
	v0 =	vld [tilespmem:s6+$0x60]  }
0x50: {  	v3 =	vadd.f32 v5, v4;
	v4 =	vld [tilespmem:s17+$0x60]  }
0x51: {  	v5 =	vld [tilespmem:s6+$0xFFFFFFA0]  }
0x52: {  	[tilespmem:s6+$0xFFFFFFD0] =	vst v3;
	v2 =	vadd.f32 v6, v2;
	v3 =	vld [tilespmem:s6+$0xFFFFFFE0]  }
0x53: {  	v6 =	vld [tilespmem:s17+$0xFFFFFFE0];
	v1 =	vadd.f32 v1, v7  }
0x54: {  	[tilespmem:s6+$0x10] =	vst v2;
	v2 =	vld [tilespmem:s6+$0x20]  }
0x55: {  	v7 =	vld [tilespmem:s17+$0x20];
	[tilespmem:s6+$0xFFFFFF90] =	vst v1;
	v0 =	vadd.f32 v4, v0  }
0x56: {  	v4 =	vld [tilespmem:s17+$0xFFFFFFA0]  }
0x57: {  	v8 =	vld [tilespmem:s6+$0x70];
	[tilespmem:s6+$0x60] =	vst v0  }
0x58: {  	v1 =	vadd.f32 v6, v3;
	v6 =	vld [tilespmem:s17+$0x70]  }
0x59: {  	v0 =	vld [tilespmem:s6+$0xFFFFFFB0]  }
0x5a: {  	[tilespmem:s6+$0xFFFFFFE0] =	vst v1;
	v2 =	vadd.f32 v7, v2;
	v1 =	vld [tilespmem:s6+$0xFFFFFFF0]  }
0x5b: {  	v3 =	vld [tilespmem:s17+$0xFFFFFFF0];
	v4 =	vadd.f32 v4, v5  }
0x5c: {  	[tilespmem:s6+$0x20] =	vst v2;
	v2 =	vld [tilespmem:s6+$0x30]  }
0x5d: {  	[tilespmem:s6+$0xFFFFFFA0] =	vst v4;
	v4 =	vld [tilespmem:s17+$0x30];
	v6 =	vadd.f32 v6, v8  }
0x5e: {  	s7 =	simm.s32 $0x0;
	s8 =	simm.s32 $0x9B80;
	v5 =	vld [tilespmem:s17+$0xFFFFFFB0]  }
.LBB2_3:
0x5f: {  	v7 =	vld [tilespmem:s8+$0x40];
	[tilespmem:s6+$0x70] =	vst v6;
	s17 =	sadd.s32 $0x100, s17  }
0x60: {  	s7 =	sadd.s32 $0x4, s7;
	v6 =	vld [tilespmem:s17+$0x40];
	v1 =	vadd.f32 v3, v1  }
0x61: {  	p0 =	slt.u32 s7, $0x60;
	v3 =	vld [tilespmem:s17+$0xFFFFFF80]  }
0x62: {  	v8 =	vld [tilespmem:s8+$0xFFFFFFC0];
	[tilespmem:s6+$0xFFFFFFF0] =	vst v1;
	v1 =	vadd.f32 v4, v2  }
0x63: {  	v2 =	vld [tilespmem:s17+$0xFFFFFFC0];
	v0 =	vadd.f32 v5, v0  }
0x64: {  	v4 =	vld [tilespmem:s8+$0x0];
	[tilespmem:s6+$0x30] =	vst v1  }
0x65: {  	v1 =	vld [tilespmem:s17+$0x0];
	v5 =	vadd.f32 v6, v7;
	[tilespmem:s6+$0xFFFFFFB0] =	vst v0;
	s6 =	smov.u32 s8  }
0x66: {  	v0 =	vld [tilespmem:s8+$0xFFFFFF80]  }
0x67: {  	[tilespmem:s8+$0x40] =	vst v5;
	v5 =	vld [tilespmem:s8+$0x50]  }
0x68: {  	v2 =	vadd.f32 v2, v8;
	v6 =	vld [tilespmem:s17+$0x50]  }
0x69: {  	v7 =	vld [tilespmem:s8+$0xFFFFFF90]  }
0x6a: {  	[tilespmem:s8+$0xFFFFFFC0] =	vst v2;
	v2 =	vld [tilespmem:s8+$0xFFFFFFD0];
	v1 =	vadd.f32 v1, v4  }
0x6b: {  	v0 =	vadd.f32 v3, v0;
	v3 =	vld [tilespmem:s17+$0xFFFFFFD0]  }
0x6c: {  	[tilespmem:s8+$0x0] =	vst v1;
	v1 =	vld [tilespmem:s8+$0x10]  }
0x6d: {  	[tilespmem:s8+$0xFFFFFF80] =	vst v0;
	v0 =	vld [tilespmem:s17+$0x10];
	v4 =	vadd.f32 v6, v5  }
0x6e: {  	v5 =	vld [tilespmem:s17+$0xFFFFFF90]  }
0x6f: {  	[tilespmem:s8+$0x50] =	vst v4;
	v4 =	vld [tilespmem:s8+$0x60]  }
0x70: {  	v2 =	vadd.f32 v3, v2;
	v3 =	vld [tilespmem:s17+$0x60]  }
0x71: {  	v6 =	vld [tilespmem:s8+$0xFFFFFFA0]  }
0x72: {  	[tilespmem:s8+$0xFFFFFFD0] =	vst v2;
	v2 =	vld [tilespmem:s8+$0xFFFFFFE0];
	v0 =	vadd.f32 v0, v1  }
0x73: {  	v1 =	vadd.f32 v5, v7;
	v5 =	vld [tilespmem:s17+$0xFFFFFFE0]  }
0x74: {  	[tilespmem:s8+$0x10] =	vst v0;
	v7 =	vld [tilespmem:s8+$0x20]  }
0x75: {  	[tilespmem:s8+$0xFFFFFF90] =	vst v1;
	v8 =	vld [tilespmem:s17+$0x20];
	v0 =	vadd.f32 v3, v4  }
0x76: {  	v3 =	vld [tilespmem:s17+$0xFFFFFFA0]  }
0x77: {  	[tilespmem:s8+$0x60] =	vst v0;
	v9 =	vld [tilespmem:s8+$0x70]  }
0x78: {  	v1 =	vadd.f32 v5, v2;
	v5 =	vld [tilespmem:s17+$0x70]  }
0x79: {  	v0 =	vld [tilespmem:s8+$0xFFFFFFB0]  }
.Ltmp0:
0x7a: {  	[tilespmem:s8+$0xFFFFFFE0] =	vst v1;
	v1 =	vld [tilespmem:s8+$0xFFFFFFF0];
	v2 =	vadd.f32 v8, v7;
	(pc) =	sbr.rel @p0 .LBB2_3-.Ltmp0, $4  }
0x7b: {  	v4 =	vadd.f32 v3, v6;
	v3 =	vld [tilespmem:s17+$0xFFFFFFF0]  }
0x7c: {  	[tilespmem:s8+$0x20] =	vst v2;
	v2 =	vld [tilespmem:s8+$0x30]  }
0x7d: {  	[tilespmem:s8+$0xFFFFFFA0] =	vst v4;
	v4 =	vld [tilespmem:s17+$0x30];
	v6 =	vadd.f32 v5, v9  }
0x7e: {  	s8 =	sadd.s32 $0x100, s8;
	v5 =	vld [tilespmem:s17+$0xFFFFFFB0]  }
0x7f: {  	_ =	sdelay $0x1  }
0x80: {  	s17 =	sshll.u32 s13, $0x3;
	v1 =	vadd.f32 v3, v1  }
0x81: {  	[tilespmem:s6+$0x70] =	vst v6;
	s3 =	sadd.s32 s4, s17;
	v2 =	vadd.f32 v4, v2  }
0x82: {  	s3 =	smul.u32 $0x640, s3;
	[tilespmem:s6+$0xFFFFFFF0] =	vst v1;
	v0 =	vadd.f32 v5, v0  }
0x83: {  	[tilespmem:s6+$0x30] =	vst v2  }
0x84: {  	s3 =	sadd.s32 s2, s3;
	[tilespmem:s6+$0xFFFFFFB0] =	vst v0  }
0x85: {  	[hbm4b:s3+s21] =	stream.strided.scatter [tilespmem:s12], [sflag:$0x9], $0x1900, s22, s21, $0x38;
	[tilespmem:$0x16200] =	vst v63  }
0x86: {  	_ =	swait.ge [sflag:s23], $0x1900  }
0x87: {  	[sflag:s23] =	ssyncset.done $0x0  }
0x88: {  	s6 =	simm.s32 $0xB380;
	[sflag:s23] =	ssyncadd.s32 $0xFFFFE700  }
0x89: {  	s7 =	simm.s32 $0x81F0;
	v0 =	vld [tilespmem:s6+$0x40]  }
0x8a: {  	v1 =	vld [tilespmem:s7+$0xFFFFFFD0]  }
0x8b: {  	v2 =	vld [tilespmem:s6+$0xFFFFFFC0]  }
0x8c: {  	v3 =	vld [tilespmem:s7+$0xFFFFFF50]  }
0x8d: {  	v4 =	vld [tilespmem:s6+$0x0]  }
0x8e: {  	v5 =	vld [tilespmem:s7+$0xFFFFFF90]  }
0x8f: {  	v6 =	vld [tilespmem:s6+$0xFFFFFF80];
	v0 =	vadd.f32 v1, v0  }
0x90: {  	v1 =	vld [tilespmem:s7+$0xFFFFFF10]  }
0x91: {  	[tilespmem:s6+$0x40] =	vst v0;
	v0 =	vld [tilespmem:s6+$0x50]  }
0x92: {  	v2 =	vadd.f32 v3, v2;
	v3 =	vld [tilespmem:s7+$0xFFFFFFE0]  }
0x93: {  	v7 =	vld [tilespmem:s6+$0xFFFFFF90]  }
0x94: {  	[tilespmem:s6+$0xFFFFFFC0] =	vst v2;
	v2 =	vadd.f32 v5, v4;
	v4 =	vld [tilespmem:s6+$0xFFFFFFD0]  }
0x95: {  	v5 =	vld [tilespmem:s7+$0xFFFFFF60];
	v1 =	vadd.f32 v1, v6  }
0x96: {  	[tilespmem:s6+$0x0] =	vst v2;
	v2 =	vld [tilespmem:s6+$0x10]  }
0x97: {  	v6 =	vld [tilespmem:s7+$0xFFFFFFA0];
	[tilespmem:s6+$0xFFFFFF80] =	vst v1;
	v0 =	vadd.f32 v3, v0  }
0x98: {  	v1 =	vld [tilespmem:s7+$0xFFFFFF20]  }
0x99: {  	[tilespmem:s6+$0x50] =	vst v0;
	v0 =	vld [tilespmem:s6+$0x60]  }
0x9a: {  	v3 =	vadd.f32 v5, v4;
	v4 =	vld [tilespmem:s7+$0xFFFFFFF0]  }
0x9b: {  	v5 =	vld [tilespmem:s6+$0xFFFFFFA0]  }
0x9c: {  	[tilespmem:s6+$0xFFFFFFD0] =	vst v3;
	v2 =	vadd.f32 v6, v2;
	v3 =	vld [tilespmem:s6+$0xFFFFFFE0]  }
0x9d: {  	v6 =	vld [tilespmem:s7+$0xFFFFFF70];
	v1 =	vadd.f32 v1, v7  }
0x9e: {  	[tilespmem:s6+$0x10] =	vst v2;
	v2 =	vld [tilespmem:s6+$0x20]  }
0x9f: {  	v7 =	vld [tilespmem:s7+$0xFFFFFFB0];
	[tilespmem:s6+$0xFFFFFF90] =	vst v1;
	v0 =	vadd.f32 v4, v0  }
0xa0: {  	v4 =	vld [tilespmem:s7+$0xFFFFFF30]  }
0xa1: {  	v8 =	vld [tilespmem:s6+$0x70];
	[tilespmem:s6+$0x60] =	vst v0  }
0xa2: {  	v1 =	vadd.f32 v6, v3;
	v6 =	vld [tilespmem:s7+$0x0]  }
0xa3: {  	v0 =	vld [tilespmem:s6+$0xFFFFFFB0]  }
0xa4: {  	[tilespmem:s6+$0xFFFFFFE0] =	vst v1;
	v2 =	vadd.f32 v7, v2;
	v1 =	vld [tilespmem:s6+$0xFFFFFFF0]  }
0xa5: {  	v3 =	vld [tilespmem:s7+$0xFFFFFF80];
	v4 =	vadd.f32 v4, v5  }
0xa6: {  	[tilespmem:s6+$0x20] =	vst v2;
	v2 =	vld [tilespmem:s6+$0x30]  }
0xa7: {  	[tilespmem:s6+$0xFFFFFFA0] =	vst v4;
	v4 =	vld [tilespmem:s7+$0xFFFFFFC0];
	v6 =	vadd.f32 v6, v8  }
0xa8: {  	s8 =	simm.s32 $0x0;
	s3 =	simm.s32 $0xB480;
	v5 =	vld [tilespmem:s7+$0xFFFFFF40]  }
.LBB2_5:
0xa9: {  	v7 =	vld [tilespmem:s3+$0x40];
	[tilespmem:s6+$0x70] =	vst v6;
	s7 =	sadd.s32 $0x100, s7  }
0xaa: {  	s8 =	sadd.s32 $0x4, s8;
	v6 =	vld [tilespmem:s7+$0xFFFFFFD0];
	v1 =	vadd.f32 v3, v1  }
0xab: {  	p0 =	slt.u32 s8, $0x60;
	v3 =	vld [tilespmem:s7+$0xFFFFFF10]  }
0xac: {  	v8 =	vld [tilespmem:s3+$0xFFFFFFC0];
	[tilespmem:s6+$0xFFFFFFF0] =	vst v1;
	v1 =	vadd.f32 v4, v2  }
0xad: {  	v2 =	vld [tilespmem:s7+$0xFFFFFF50];
	v0 =	vadd.f32 v5, v0  }
0xae: {  	v4 =	vld [tilespmem:s3+$0x0];
	[tilespmem:s6+$0x30] =	vst v1  }
0xaf: {  	v1 =	vld [tilespmem:s7+$0xFFFFFF90];
	v5 =	vadd.f32 v6, v7;
	[tilespmem:s6+$0xFFFFFFB0] =	vst v0;
	s6 =	smov.u32 s3  }
0xb0: {  	v0 =	vld [tilespmem:s3+$0xFFFFFF80]  }
0xb1: {  	[tilespmem:s3+$0x40] =	vst v5;
	v5 =	vld [tilespmem:s3+$0x50]  }
0xb2: {  	v2 =	vadd.f32 v2, v8;
	v6 =	vld [tilespmem:s7+$0xFFFFFFE0]  }
0xb3: {  	v7 =	vld [tilespmem:s3+$0xFFFFFF90]  }
0xb4: {  	[tilespmem:s3+$0xFFFFFFC0] =	vst v2;
	v2 =	vld [tilespmem:s3+$0xFFFFFFD0];
	v1 =	vadd.f32 v1, v4  }
0xb5: {  	v0 =	vadd.f32 v3, v0;
	v3 =	vld [tilespmem:s7+$0xFFFFFF60]  }
0xb6: {  	[tilespmem:s3+$0x0] =	vst v1;
	v1 =	vld [tilespmem:s3+$0x10]  }
0xb7: {  	[tilespmem:s3+$0xFFFFFF80] =	vst v0;
	v0 =	vld [tilespmem:s7+$0xFFFFFFA0];
	v4 =	vadd.f32 v6, v5  }
0xb8: {  	v5 =	vld [tilespmem:s7+$0xFFFFFF20]  }
0xb9: {  	[tilespmem:s3+$0x50] =	vst v4;
	v4 =	vld [tilespmem:s3+$0x60]  }
0xba: {  	v2 =	vadd.f32 v3, v2;
	v3 =	vld [tilespmem:s7+$0xFFFFFFF0]  }
0xbb: {  	v6 =	vld [tilespmem:s3+$0xFFFFFFA0]  }
0xbc: {  	[tilespmem:s3+$0xFFFFFFD0] =	vst v2;
	v2 =	vld [tilespmem:s3+$0xFFFFFFE0];
	v0 =	vadd.f32 v0, v1  }
0xbd: {  	v1 =	vadd.f32 v5, v7;
	v5 =	vld [tilespmem:s7+$0xFFFFFF70]  }
0xbe: {  	[tilespmem:s3+$0x10] =	vst v0;
	v7 =	vld [tilespmem:s3+$0x20]  }
0xbf: {  	[tilespmem:s3+$0xFFFFFF90] =	vst v1;
	v8 =	vld [tilespmem:s7+$0xFFFFFFB0];
	v0 =	vadd.f32 v3, v4  }
0xc0: {  	v3 =	vld [tilespmem:s7+$0xFFFFFF30]  }
0xc1: {  	[tilespmem:s3+$0x60] =	vst v0;
	v9 =	vld [tilespmem:s3+$0x70]  }
0xc2: {  	v1 =	vadd.f32 v5, v2;
	v5 =	vld [tilespmem:s7+$0x0]  }
0xc3: {  	v0 =	vld [tilespmem:s3+$0xFFFFFFB0]  }
.Ltmp1:
0xc4: {  	[tilespmem:s3+$0xFFFFFFE0] =	vst v1;
	v1 =	vld [tilespmem:s3+$0xFFFFFFF0];
	v2 =	vadd.f32 v8, v7;
	(pc) =	sbr.rel @p0 .LBB2_5-.Ltmp1, $4  }
0xc5: {  	v4 =	vadd.f32 v3, v6;
	v3 =	vld [tilespmem:s7+$0xFFFFFF80]  }
0xc6: {  	[tilespmem:s3+$0x20] =	vst v2;
	v2 =	vld [tilespmem:s3+$0x30]  }
0xc7: {  	[tilespmem:s3+$0xFFFFFFA0] =	vst v4;
	v4 =	vld [tilespmem:s7+$0xFFFFFFC0];
	v6 =	vadd.f32 v5, v9  }
0xc8: {  	s3 =	sadd.s32 $0x100, s3;
	v5 =	vld [tilespmem:s7+$0xFFFFFF40]  }
0xc9: {  	_ =	sdelay $0x1  }
0xca: {  	s3 =	sadd.s32 s17, s4;
	v1 =	vadd.f32 v3, v1  }
0xcb: {  	[tilespmem:s6+$0x70] =	vst v6;
	s3 =	smul.u32 $0x640, s3;
	v2 =	vadd.f32 v4, v2  }
0xcc: {  	[tilespmem:s6+$0xFFFFFFF0] =	vst v1;
	v0 =	vadd.f32 v5, v0  }
0xcd: {  	s17 =	sadd.s32 s2, s3;
	[tilespmem:s6+$0x30] =	vst v2  }
0xce: {  	s3 =	sadd.s32 $0x640, s17;
	[tilespmem:s6+$0xFFFFFFB0] =	vst v0  }
0xcf: {  	[hbm4b:s3+s21] =	stream.strided.scatter [tilespmem:s14], [sflag:$0xA], $0x1900, s22, s21, $0x38;
	[tilespmem:$0x16200] =	vst v63  }
0xd0: {  	_ =	swait.ge [sflag:s24], $0x1900  }
0xd1: {  	[sflag:s24] =	ssyncset.done $0x0  }
0xd2: {  	s6 =	simm.s32 $0xCC80;
	[sflag:s24] =	ssyncadd.s32 $0xFFFFE700  }
0xd3: {  	s7 =	simm.s32 $0x6880;
	v0 =	vld [tilespmem:s6+$0x40]  }
0xd4: {  	v1 =	vld [tilespmem:s7+$0x40]  }
0xd5: {  	v2 =	vld [tilespmem:s6+$0xFFFFFFC0]  }
0xd6: {  	v3 =	vld [tilespmem:s7+$0xFFFFFFC0]  }
0xd7: {  	v4 =	vld [tilespmem:s6+$0x0]  }
0xd8: {  	v5 =	vld [tilespmem:s7+$0x0]  }
0xd9: {  	v6 =	vld [tilespmem:s6+$0xFFFFFF80];
	v0 =	vadd.f32 v1, v0  }
0xda: {  	v1 =	vld [tilespmem:s7+$0xFFFFFF80]  }
0xdb: {  	[tilespmem:s6+$0x40] =	vst v0;
	v0 =	vld [tilespmem:s6+$0x50]  }
0xdc: {  	v2 =	vadd.f32 v3, v2;
	v3 =	vld [tilespmem:s7+$0x50]  }
0xdd: {  	v7 =	vld [tilespmem:s6+$0xFFFFFF90]  }
0xde: {  	[tilespmem:s6+$0xFFFFFFC0] =	vst v2;
	v2 =	vadd.f32 v5, v4;
	v4 =	vld [tilespmem:s6+$0xFFFFFFD0]  }
0xdf: {  	v5 =	vld [tilespmem:s7+$0xFFFFFFD0];
	v1 =	vadd.f32 v1, v6  }
0xe0: {  	[tilespmem:s6+$0x0] =	vst v2;
	v2 =	vld [tilespmem:s6+$0x10]  }
0xe1: {  	v6 =	vld [tilespmem:s7+$0x10];
	[tilespmem:s6+$0xFFFFFF80] =	vst v1;
	v0 =	vadd.f32 v3, v0  }
0xe2: {  	v1 =	vld [tilespmem:s7+$0xFFFFFF90]  }
0xe3: {  	[tilespmem:s6+$0x50] =	vst v0;
	v0 =	vld [tilespmem:s6+$0x60]  }
0xe4: {  	v3 =	vadd.f32 v5, v4;
	v4 =	vld [tilespmem:s7+$0x60]  }
0xe5: {  	v5 =	vld [tilespmem:s6+$0xFFFFFFA0]  }
0xe6: {  	[tilespmem:s6+$0xFFFFFFD0] =	vst v3;
	v2 =	vadd.f32 v6, v2;
	v3 =	vld [tilespmem:s6+$0xFFFFFFE0]  }
0xe7: {  	v6 =	vld [tilespmem:s7+$0xFFFFFFE0];
	v1 =	vadd.f32 v1, v7  }
0xe8: {  	[tilespmem:s6+$0x10] =	vst v2;
	v2 =	vld [tilespmem:s6+$0x20]  }
0xe9: {  	v7 =	vld [tilespmem:s7+$0x20];
	[tilespmem:s6+$0xFFFFFF90] =	vst v1;
	v0 =	vadd.f32 v4, v0  }
0xea: {  	v4 =	vld [tilespmem:s7+$0xFFFFFFA0]  }
0xeb: {  	v8 =	vld [tilespmem:s6+$0x70];
	[tilespmem:s6+$0x60] =	vst v0  }
0xec: {  	v1 =	vadd.f32 v6, v3;
	v6 =	vld [tilespmem:s7+$0x70]  }
0xed: {  	v0 =	vld [tilespmem:s6+$0xFFFFFFB0]  }
0xee: {  	[tilespmem:s6+$0xFFFFFFE0] =	vst v1;
	v2 =	vadd.f32 v7, v2;
	v1 =	vld [tilespmem:s6+$0xFFFFFFF0]  }
0xef: {  	v3 =	vld [tilespmem:s7+$0xFFFFFFF0];
	v4 =	vadd.f32 v4, v5  }
0xf0: {  	[tilespmem:s6+$0x20] =	vst v2;
	v2 =	vld [tilespmem:s6+$0x30]  }
0xf1: {  	[tilespmem:s6+$0xFFFFFFA0] =	vst v4;
	v4 =	vld [tilespmem:s7+$0x30];
	v6 =	vadd.f32 v6, v8  }
0xf2: {  	s8 =	simm.s32 $0x0;
	s3 =	simm.s32 $0xCD80;
	v5 =	vld [tilespmem:s7+$0xFFFFFFB0]  }
.LBB2_7:
0xf3: {  	v7 =	vld [tilespmem:s3+$0x40];
	[tilespmem:s6+$0x70] =	vst v6;
	s7 =	sadd.s32 $0x100, s7  }
0xf4: {  	s8 =	sadd.s32 $0x4, s8;
	v6 =	vld [tilespmem:s7+$0x40];
	v1 =	vadd.f32 v3, v1  }
0xf5: {  	p0 =	slt.u32 s8, $0x60;
	v3 =	vld [tilespmem:s7+$0xFFFFFF80]  }
0xf6: {  	v8 =	vld [tilespmem:s3+$0xFFFFFFC0];
	[tilespmem:s6+$0xFFFFFFF0] =	vst v1;
	v1 =	vadd.f32 v4, v2  }
0xf7: {  	v2 =	vld [tilespmem:s7+$0xFFFFFFC0];
	v0 =	vadd.f32 v5, v0  }
0xf8: {  	v4 =	vld [tilespmem:s3+$0x0];
	[tilespmem:s6+$0x30] =	vst v1  }
0xf9: {  	v1 =	vld [tilespmem:s7+$0x0];
	v5 =	vadd.f32 v6, v7;
	[tilespmem:s6+$0xFFFFFFB0] =	vst v0;
	s6 =	smov.u32 s3  }
0xfa: {  	v0 =	vld [tilespmem:s3+$0xFFFFFF80]  }
0xfb: {  	[tilespmem:s3+$0x40] =	vst v5;
	v5 =	vld [tilespmem:s3+$0x50]  }
0xfc: {  	v2 =	vadd.f32 v2, v8;
	v6 =	vld [tilespmem:s7+$0x50]  }
0xfd: {  	v7 =	vld [tilespmem:s3+$0xFFFFFF90]  }
0xfe: {  	[tilespmem:s3+$0xFFFFFFC0] =	vst v2;
	v2 =	vld [tilespmem:s3+$0xFFFFFFD0];
	v1 =	vadd.f32 v1, v4  }
0xff: {  	v0 =	vadd.f32 v3, v0;
	v3 =	vld [tilespmem:s7+$0xFFFFFFD0]  }
0x100: {  	[tilespmem:s3+$0x0] =	vst v1;
	v1 =	vld [tilespmem:s3+$0x10]  }
0x101: {  	[tilespmem:s3+$0xFFFFFF80] =	vst v0;
	v0 =	vld [tilespmem:s7+$0x10];
	v4 =	vadd.f32 v6, v5  }
0x102: {  	v5 =	vld [tilespmem:s7+$0xFFFFFF90]  }
0x103: {  	[tilespmem:s3+$0x50] =	vst v4;
	v4 =	vld [tilespmem:s3+$0x60]  }
0x104: {  	v2 =	vadd.f32 v3, v2;
	v3 =	vld [tilespmem:s7+$0x60]  }
0x105: {  	v6 =	vld [tilespmem:s3+$0xFFFFFFA0]  }
0x106: {  	[tilespmem:s3+$0xFFFFFFD0] =	vst v2;
	v2 =	vld [tilespmem:s3+$0xFFFFFFE0];
	v0 =	vadd.f32 v0, v1  }
0x107: {  	v1 =	vadd.f32 v5, v7;
	v5 =	vld [tilespmem:s7+$0xFFFFFFE0]  }
0x108: {  	[tilespmem:s3+$0x10] =	vst v0;
	v7 =	vld [tilespmem:s3+$0x20]  }
0x109: {  	[tilespmem:s3+$0xFFFFFF90] =	vst v1;
	v8 =	vld [tilespmem:s7+$0x20];
	v0 =	vadd.f32 v3, v4  }
0x10a: {  	v3 =	vld [tilespmem:s7+$0xFFFFFFA0]  }
0x10b: {  	[tilespmem:s3+$0x60] =	vst v0;
	v9 =	vld [tilespmem:s3+$0x70]  }
0x10c: {  	v1 =	vadd.f32 v5, v2;
	v5 =	vld [tilespmem:s7+$0x70]  }
0x10d: {  	v0 =	vld [tilespmem:s3+$0xFFFFFFB0]  }
.Ltmp2:
0x10e: {  	[tilespmem:s3+$0xFFFFFFE0] =	vst v1;
	v1 =	vld [tilespmem:s3+$0xFFFFFFF0];
	v2 =	vadd.f32 v8, v7;
	(pc) =	sbr.rel @p0 .LBB2_7-.Ltmp2, $4  }
0x10f: {  	v4 =	vadd.f32 v3, v6;
	v3 =	vld [tilespmem:s7+$0xFFFFFFF0]  }
0x110: {  	[tilespmem:s3+$0x20] =	vst v2;
	v2 =	vld [tilespmem:s3+$0x30]  }
0x111: {  	[tilespmem:s3+$0xFFFFFFA0] =	vst v4;
	v4 =	vld [tilespmem:s7+$0x30];
	v6 =	vadd.f32 v5, v9  }
0x112: {  	s3 =	sadd.s32 $0x100, s3;
	v5 =	vld [tilespmem:s7+$0xFFFFFFB0]  }
0x113: {  	_ =	sdelay $0x1  }
0x114: {  	v1 =	vadd.f32 v3, v1  }
0x115: {  	[tilespmem:s6+$0x70] =	vst v6;
	v2 =	vadd.f32 v4, v2  }
0x116: {  	[tilespmem:s6+$0xFFFFFFF0] =	vst v1;
	v0 =	vadd.f32 v5, v0  }
0x117: {  	[tilespmem:s6+$0x30] =	vst v2  }
0x118: {  	s3 =	sadd.s32 $0xC80, s17;
	[tilespmem:s6+$0xFFFFFFB0] =	vst v0  }
0x119: {  	[hbm4b:s3+s21] =	stream.strided.scatter [tilespmem:s16], [sflag:$0xB], $0x1900, s22, s21, $0x38;
	[tilespmem:$0x16200] =	vst v63  }
0x11a: {  	_ =	swait.ge [sflag:s25], $0x1900  }
0x11b: {  	[sflag:s25] =	ssyncset.done $0x0  }
0x11c: {  	s6 =	simm.s32 $0xE580;
	[sflag:s25] =	ssyncadd.s32 $0xFFFFE700  }
0x11d: {  	s7 =	simm.s32 $0x81F0;
	v0 =	vld [tilespmem:s6+$0x40]  }
0x11e: {  	v1 =	vld [tilespmem:s7+$0xFFFFFFD0]  }
0x11f: {  	v2 =	vld [tilespmem:s6+$0xFFFFFFC0]  }
0x120: {  	v3 =	vld [tilespmem:s7+$0xFFFFFF50]  }
0x121: {  	v4 =	vld [tilespmem:s6+$0x0]  }
0x122: {  	v5 =	vld [tilespmem:s7+$0xFFFFFF90]  }
0x123: {  	v6 =	vld [tilespmem:s6+$0xFFFFFF80];
	v0 =	vadd.f32 v1, v0  }
0x124: {  	v1 =	vld [tilespmem:s7+$0xFFFFFF10]  }
0x125: {  	[tilespmem:s6+$0x40] =	vst v0;
	v0 =	vld [tilespmem:s6+$0x50]  }
0x126: {  	v2 =	vadd.f32 v3, v2;
	v3 =	vld [tilespmem:s7+$0xFFFFFFE0]  }
0x127: {  	v7 =	vld [tilespmem:s6+$0xFFFFFF90]  }
0x128: {  	[tilespmem:s6+$0xFFFFFFC0] =	vst v2;
	v2 =	vadd.f32 v5, v4;
	v4 =	vld [tilespmem:s6+$0xFFFFFFD0]  }
0x129: {  	v5 =	vld [tilespmem:s7+$0xFFFFFF60];
	v1 =	vadd.f32 v1, v6  }
0x12a: {  	[tilespmem:s6+$0x0] =	vst v2;
	v2 =	vld [tilespmem:s6+$0x10]  }
0x12b: {  	v6 =	vld [tilespmem:s7+$0xFFFFFFA0];
	[tilespmem:s6+$0xFFFFFF80] =	vst v1;
	v0 =	vadd.f32 v3, v0  }
0x12c: {  	v1 =	vld [tilespmem:s7+$0xFFFFFF20]  }
0x12d: {  	[tilespmem:s6+$0x50] =	vst v0;
	v0 =	vld [tilespmem:s6+$0x60]  }
0x12e: {  	v3 =	vadd.f32 v5, v4;
	v4 =	vld [tilespmem:s7+$0xFFFFFFF0]  }
0x12f: {  	v5 =	vld [tilespmem:s6+$0xFFFFFFA0]  }
0x130: {  	[tilespmem:s6+$0xFFFFFFD0] =	vst v3;
	v2 =	vadd.f32 v6, v2;
	v3 =	vld [tilespmem:s6+$0xFFFFFFE0]  }
0x131: {  	v6 =	vld [tilespmem:s7+$0xFFFFFF70];
	v1 =	vadd.f32 v1, v7  }
0x132: {  	[tilespmem:s6+$0x10] =	vst v2;
	v2 =	vld [tilespmem:s6+$0x20]  }
0x133: {  	v7 =	vld [tilespmem:s7+$0xFFFFFFB0];
	[tilespmem:s6+$0xFFFFFF90] =	vst v1;
	v0 =	vadd.f32 v4, v0  }
0x134: {  	v4 =	vld [tilespmem:s7+$0xFFFFFF30]  }
0x135: {  	v8 =	vld [tilespmem:s6+$0x70];
	[tilespmem:s6+$0x60] =	vst v0  }
0x136: {  	v1 =	vadd.f32 v6, v3;
	v6 =	vld [tilespmem:s7+$0x0]  }
0x137: {  	v0 =	vld [tilespmem:s6+$0xFFFFFFB0]  }
0x138: {  	[tilespmem:s6+$0xFFFFFFE0] =	vst v1;
	v2 =	vadd.f32 v7, v2;
	v1 =	vld [tilespmem:s6+$0xFFFFFFF0]  }
0x139: {  	v3 =	vld [tilespmem:s7+$0xFFFFFF80];
	v4 =	vadd.f32 v4, v5  }
0x13a: {  	[tilespmem:s6+$0x20] =	vst v2;
	v2 =	vld [tilespmem:s6+$0x30]  }
0x13b: {  	[tilespmem:s6+$0xFFFFFFA0] =	vst v4;
	v4 =	vld [tilespmem:s7+$0xFFFFFFC0];
	v6 =	vadd.f32 v6, v8  }
0x13c: {  	s8 =	simm.s32 $0x0;
	s3 =	simm.s32 $0xE680;
	v5 =	vld [tilespmem:s7+$0xFFFFFF40]  }
.LBB2_9:
0x13d: {  	v7 =	vld [tilespmem:s3+$0x40];
	[tilespmem:s6+$0x70] =	vst v6;
	s7 =	sadd.s32 $0x100, s7  }
0x13e: {  	s8 =	sadd.s32 $0x4, s8;
	v6 =	vld [tilespmem:s7+$0xFFFFFFD0];
	v1 =	vadd.f32 v3, v1  }
0x13f: {  	p0 =	slt.u32 s8, $0x60;
	v3 =	vld [tilespmem:s7+$0xFFFFFF10]  }
0x140: {  	v8 =	vld [tilespmem:s3+$0xFFFFFFC0];
	[tilespmem:s6+$0xFFFFFFF0] =	vst v1;
	v1 =	vadd.f32 v4, v2  }
0x141: {  	v2 =	vld [tilespmem:s7+$0xFFFFFF50];
	v0 =	vadd.f32 v5, v0  }
0x142: {  	v4 =	vld [tilespmem:s3+$0x0];
	[tilespmem:s6+$0x30] =	vst v1  }
0x143: {  	v1 =	vld [tilespmem:s7+$0xFFFFFF90];
	v5 =	vadd.f32 v6, v7;
	[tilespmem:s6+$0xFFFFFFB0] =	vst v0;
	s6 =	smov.u32 s3  }
0x144: {  	v0 =	vld [tilespmem:s3+$0xFFFFFF80]  }
0x145: {  	[tilespmem:s3+$0x40] =	vst v5;
	v5 =	vld [tilespmem:s3+$0x50]  }
0x146: {  	v2 =	vadd.f32 v2, v8;
	v6 =	vld [tilespmem:s7+$0xFFFFFFE0]  }
0x147: {  	v7 =	vld [tilespmem:s3+$0xFFFFFF90]  }
0x148: {  	[tilespmem:s3+$0xFFFFFFC0] =	vst v2;
	v2 =	vld [tilespmem:s3+$0xFFFFFFD0];
	v1 =	vadd.f32 v1, v4  }
0x149: {  	v0 =	vadd.f32 v3, v0;
	v3 =	vld [tilespmem:s7+$0xFFFFFF60]  }
0x14a: {  	[tilespmem:s3+$0x0] =	vst v1;
	v1 =	vld [tilespmem:s3+$0x10]  }
0x14b: {  	[tilespmem:s3+$0xFFFFFF80] =	vst v0;
	v0 =	vld [tilespmem:s7+$0xFFFFFFA0];
	v4 =	vadd.f32 v6, v5  }
0x14c: {  	v5 =	vld [tilespmem:s7+$0xFFFFFF20]  }
0x14d: {  	[tilespmem:s3+$0x50] =	vst v4;
	v4 =	vld [tilespmem:s3+$0x60]  }
0x14e: {  	v2 =	vadd.f32 v3, v2;
	v3 =	vld [tilespmem:s7+$0xFFFFFFF0]  }
0x14f: {  	v6 =	vld [tilespmem:s3+$0xFFFFFFA0]  }
0x150: {  	[tilespmem:s3+$0xFFFFFFD0] =	vst v2;
	v2 =	vld [tilespmem:s3+$0xFFFFFFE0];
	v0 =	vadd.f32 v0, v1  }
0x151: {  	v1 =	vadd.f32 v5, v7;
	v5 =	vld [tilespmem:s7+$0xFFFFFF70]  }
0x152: {  	[tilespmem:s3+$0x10] =	vst v0;
	v7 =	vld [tilespmem:s3+$0x20]  }
0x153: {  	[tilespmem:s3+$0xFFFFFF90] =	vst v1;
	v8 =	vld [tilespmem:s7+$0xFFFFFFB0];
	v0 =	vadd.f32 v3, v4  }
0x154: {  	v3 =	vld [tilespmem:s7+$0xFFFFFF30]  }
0x155: {  	[tilespmem:s3+$0x60] =	vst v0;
	v9 =	vld [tilespmem:s3+$0x70]  }
0x156: {  	v1 =	vadd.f32 v5, v2;
	v5 =	vld [tilespmem:s7+$0x0]  }
0x157: {  	v0 =	vld [tilespmem:s3+$0xFFFFFFB0]  }
.Ltmp3:
0x158: {  	[tilespmem:s3+$0xFFFFFFE0] =	vst v1;
	v1 =	vld [tilespmem:s3+$0xFFFFFFF0];
	v2 =	vadd.f32 v8, v7;
	(pc) =	sbr.rel @p0 .LBB2_9-.Ltmp3, $4  }
0x159: {  	v4 =	vadd.f32 v3, v6;
	v3 =	vld [tilespmem:s7+$0xFFFFFF80]  }
0x15a: {  	[tilespmem:s3+$0x20] =	vst v2;
	v2 =	vld [tilespmem:s3+$0x30]  }
0x15b: {  	[tilespmem:s3+$0xFFFFFFA0] =	vst v4;
	v4 =	vld [tilespmem:s7+$0xFFFFFFC0];
	v6 =	vadd.f32 v5, v9  }
0x15c: {  	s3 =	sadd.s32 $0x100, s3;
	v5 =	vld [tilespmem:s7+$0xFFFFFF40]  }
0x15d: {  	_ =	sdelay $0x1  }
0x15e: {  	v1 =	vadd.f32 v3, v1  }
0x15f: {  	[tilespmem:s6+$0x70] =	vst v6;
	v2 =	vadd.f32 v4, v2  }
0x160: {  	[tilespmem:s6+$0xFFFFFFF0] =	vst v1;
	v0 =	vadd.f32 v5, v0  }
0x161: {  	[tilespmem:s6+$0x30] =	vst v2  }
0x162: {  	s3 =	sadd.s32 $0x12C0, s17;
	p0 =	seq.s32 s13, $0x1F;
	[tilespmem:s6+$0xFFFFFFB0] =	vst v0  }
0x163: {  	[hbm4b:s3+s21] =	stream.strided.scatter [tilespmem:s18], [sflag:$0xC], $0x1900, s22, s21, $0x38;
	[tilespmem:$0x16200] =	vst v63  }
0x164: {  	s3 =	simm.s32 @!p0 $0x9  }
0x165: {  	s6 =	smul.u32 @!p0 $0xD00, s13;
	_ =	swait.ge @!p0 [sflag:s3], $0x1900  }
0x166: {  	[sflag:s3] =	ssyncset.done @!p0 $0x0  }
0x167: {  	[sflag:s3] =	ssyncadd.s32 @!p0 $0xFFFFE700;
	s3 =	sshra.s32 @!p0 s6, $0x2  }
0x168: {  	s7 =	simm.s32 @!p0 $0x64;
	s8 =	simm.s32 @!p0 $0x9A00;
	s6 =	sadd.s32 @!p0 $0x340, s3  }
0x169: {  	[tilespmem:s8], [sflag:$0x1] =	stream.indirect.gather @!p0 [hbm4b:s5+s7], $0x40, s6, s7, $0xb8;
	[tilespmem:$0x16200] =	vst v63  }
0x16a: {  	s6 =	simm.s32 @!p0 $0xA  }
0x16b: {  	_ =	swait.ge @!p0 [sflag:s6], $0x1900  }
0x16c: {  	[sflag:s6] =	ssyncset.done @!p0 $0x0  }
0x16d: {  	s8 =	simm.s32 @!p0 $0xB300;
	[sflag:s6] =	ssyncadd.s32 @!p0 $0xFFFFE700;
	s6 =	sadd.s32 @!p0 $0x3A8, s3  }
0x16e: {  	[tilespmem:s8], [sflag:$0x2] =	stream.indirect.gather @!p0 [hbm4b:s5+s7], $0x40, s6, s7, $0xb8;
	[tilespmem:$0x16200] =	vst v63  }
0x16f: {  	s6 =	simm.s32 @!p0 $0xB  }
0x170: {  	_ =	swait.ge @!p0 [sflag:s6], $0x1900  }
0x171: {  	[sflag:s6] =	ssyncset.done @!p0 $0x0  }
0x172: {  	s8 =	simm.s32 @!p0 $0xCC00;
	[sflag:s6] =	ssyncadd.s32 @!p0 $0xFFFFE700;
	s6 =	sadd.s32 @!p0 $0x410, s3  }
0x173: {  	[tilespmem:s8], [sflag:$0x3] =	stream.indirect.gather @!p0 [hbm4b:s5+s7], $0x40, s6, s7, $0xb8;
	[tilespmem:$0x16200] =	vst v63  }
0x174: {  	s6 =	simm.s32 @!p0 $0xC  }
0x175: {  	_ =	swait.ge @!p0 [sflag:s6], $0x1900  }
0x176: {  	[sflag:s6] =	ssyncset.done @!p0 $0x0  }
0x177: {  	s3 =	sadd.s32 @!p0 $0x478, s3;
	[sflag:s6] =	ssyncadd.s32 @!p0 $0xFFFFE700;
	s6 =	simm.s32 @!p0 $0xE500  }
0x178: {  	[tilespmem:s6], [sflag:$0x4] =	stream.indirect.gather @!p0 [hbm4b:s5+s7], $0x40, s3, s7, $0xb8;
	[tilespmem:$0x16200] =	vst v63  }
0x179: {  	_ =	swait.ge [sflag:s26], $0x1900  }
0x17a: {  	[sflag:s26] =	ssyncset.done $0x0  }
0x17b: {  	s6 =	simm.s32 $0xFE80;
	[sflag:s26] =	ssyncadd.s32 $0xFFFFE700  }
0x17c: {  	s7 =	simm.s32 $0x6880;
	v0 =	vld [tilespmem:s6+$0x40]  }
0x17d: {  	v1 =	vld [tilespmem:s7+$0x40]  }
0x17e: {  	v2 =	vld [tilespmem:s6+$0xFFFFFFC0]  }
0x17f: {  	v3 =	vld [tilespmem:s7+$0xFFFFFFC0]  }
0x180: {  	v4 =	vld [tilespmem:s6+$0x0]  }
0x181: {  	v5 =	vld [tilespmem:s7+$0x0]  }
0x182: {  	v6 =	vld [tilespmem:s6+$0xFFFFFF80];
	v0 =	vadd.f32 v1, v0  }
0x183: {  	v1 =	vld [tilespmem:s7+$0xFFFFFF80]  }
0x184: {  	[tilespmem:s6+$0x40] =	vst v0;
	v0 =	vld [tilespmem:s6+$0x50]  }
0x185: {  	v2 =	vadd.f32 v3, v2;
	v3 =	vld [tilespmem:s7+$0x50]  }
0x186: {  	v7 =	vld [tilespmem:s6+$0xFFFFFF90]  }
0x187: {  	[tilespmem:s6+$0xFFFFFFC0] =	vst v2;
	v2 =	vadd.f32 v5, v4;
	v4 =	vld [tilespmem:s6+$0xFFFFFFD0]  }
0x188: {  	v5 =	vld [tilespmem:s7+$0xFFFFFFD0];
	v1 =	vadd.f32 v1, v6  }
0x189: {  	[tilespmem:s6+$0x0] =	vst v2;
	v2 =	vld [tilespmem:s6+$0x10]  }
0x18a: {  	v6 =	vld [tilespmem:s7+$0x10];
	[tilespmem:s6+$0xFFFFFF80] =	vst v1;
	v0 =	vadd.f32 v3, v0  }
0x18b: {  	v1 =	vld [tilespmem:s7+$0xFFFFFF90]  }
0x18c: {  	[tilespmem:s6+$0x50] =	vst v0;
	v0 =	vld [tilespmem:s6+$0x60]  }
0x18d: {  	v3 =	vadd.f32 v5, v4;
	v4 =	vld [tilespmem:s7+$0x60]  }
0x18e: {  	v5 =	vld [tilespmem:s6+$0xFFFFFFA0]  }
0x18f: {  	[tilespmem:s6+$0xFFFFFFD0] =	vst v3;
	v2 =	vadd.f32 v6, v2;
	v3 =	vld [tilespmem:s6+$0xFFFFFFE0]  }
0x190: {  	v6 =	vld [tilespmem:s7+$0xFFFFFFE0];
	v1 =	vadd.f32 v1, v7  }
0x191: {  	[tilespmem:s6+$0x10] =	vst v2;
	v2 =	vld [tilespmem:s6+$0x20]  }
0x192: {  	v7 =	vld [tilespmem:s7+$0x20];
	[tilespmem:s6+$0xFFFFFF90] =	vst v1;
	v0 =	vadd.f32 v4, v0  }
0x193: {  	v4 =	vld [tilespmem:s7+$0xFFFFFFA0]  }
0x194: {  	v8 =	vld [tilespmem:s6+$0x70];
	[tilespmem:s6+$0x60] =	vst v0  }
0x195: {  	v1 =	vadd.f32 v6, v3;
	v6 =	vld [tilespmem:s7+$0x70]  }
0x196: {  	v0 =	vld [tilespmem:s6+$0xFFFFFFB0]  }
0x197: {  	[tilespmem:s6+$0xFFFFFFE0] =	vst v1;
	v2 =	vadd.f32 v7, v2;
	v1 =	vld [tilespmem:s6+$0xFFFFFFF0]  }
0x198: {  	v3 =	vld [tilespmem:s7+$0xFFFFFFF0];
	v4 =	vadd.f32 v4, v5  }
0x199: {  	[tilespmem:s6+$0x20] =	vst v2;
	v2 =	vld [tilespmem:s6+$0x30]  }
0x19a: {  	[tilespmem:s6+$0xFFFFFFA0] =	vst v4;
	v4 =	vld [tilespmem:s7+$0x30];
	v6 =	vadd.f32 v6, v8  }
0x19b: {  	s8 =	simm.s32 $0x0;
	s3 =	simm.s32 $0xFF80;
	v5 =	vld [tilespmem:s7+$0xFFFFFFB0]  }
.LBB2_11:
0x19c: {  	v7 =	vld [tilespmem:s3+$0x40];
	[tilespmem:s6+$0x70] =	vst v6;
	s7 =	sadd.s32 $0x100, s7  }
0x19d: {  	s8 =	sadd.s32 $0x4, s8;
	v6 =	vld [tilespmem:s7+$0x40];
	v1 =	vadd.f32 v3, v1  }
0x19e: {  	p0 =	slt.u32 s8, $0x60;
	v3 =	vld [tilespmem:s7+$0xFFFFFF80]  }
0x19f: {  	v8 =	vld [tilespmem:s3+$0xFFFFFFC0];
	[tilespmem:s6+$0xFFFFFFF0] =	vst v1;
	v1 =	vadd.f32 v4, v2  }
0x1a0: {  	v2 =	vld [tilespmem:s7+$0xFFFFFFC0];
	v0 =	vadd.f32 v5, v0  }
0x1a1: {  	v4 =	vld [tilespmem:s3+$0x0];
	[tilespmem:s6+$0x30] =	vst v1  }
0x1a2: {  	v1 =	vld [tilespmem:s7+$0x0];
	v5 =	vadd.f32 v6, v7;
	[tilespmem:s6+$0xFFFFFFB0] =	vst v0;
	s6 =	smov.u32 s3  }
0x1a3: {  	v0 =	vld [tilespmem:s3+$0xFFFFFF80]  }
0x1a4: {  	[tilespmem:s3+$0x40] =	vst v5;
	v5 =	vld [tilespmem:s3+$0x50]  }
0x1a5: {  	v2 =	vadd.f32 v2, v8;
	v6 =	vld [tilespmem:s7+$0x50]  }
0x1a6: {  	v7 =	vld [tilespmem:s3+$0xFFFFFF90]  }
0x1a7: {  	[tilespmem:s3+$0xFFFFFFC0] =	vst v2;
	v2 =	vld [tilespmem:s3+$0xFFFFFFD0];
	v1 =	vadd.f32 v1, v4  }
0x1a8: {  	v0 =	vadd.f32 v3, v0;
	v3 =	vld [tilespmem:s7+$0xFFFFFFD0]  }
0x1a9: {  	[tilespmem:s3+$0x0] =	vst v1;
	v1 =	vld [tilespmem:s3+$0x10]  }
0x1aa: {  	[tilespmem:s3+$0xFFFFFF80] =	vst v0;
	v0 =	vld [tilespmem:s7+$0x10];
	v4 =	vadd.f32 v6, v5  }
0x1ab: {  	v5 =	vld [tilespmem:s7+$0xFFFFFF90]  }
0x1ac: {  	[tilespmem:s3+$0x50] =	vst v4;
	v4 =	vld [tilespmem:s3+$0x60]  }
0x1ad: {  	v2 =	vadd.f32 v3, v2;
	v3 =	vld [tilespmem:s7+$0x60]  }
0x1ae: {  	v6 =	vld [tilespmem:s3+$0xFFFFFFA0]  }
0x1af: {  	[tilespmem:s3+$0xFFFFFFD0] =	vst v2;
	v2 =	vld [tilespmem:s3+$0xFFFFFFE0];
	v0 =	vadd.f32 v0, v1  }
0x1b0: {  	v1 =	vadd.f32 v5, v7;
	v5 =	vld [tilespmem:s7+$0xFFFFFFE0]  }
0x1b1: {  	[tilespmem:s3+$0x10] =	vst v0;
	v7 =	vld [tilespmem:s3+$0x20]  }
0x1b2: {  	[tilespmem:s3+$0xFFFFFF90] =	vst v1;
	v8 =	vld [tilespmem:s7+$0x20];
	v0 =	vadd.f32 v3, v4  }
0x1b3: {  	v3 =	vld [tilespmem:s7+$0xFFFFFFA0]  }
0x1b4: {  	[tilespmem:s3+$0x60] =	vst v0;
	v9 =	vld [tilespmem:s3+$0x70]  }
0x1b5: {  	v1 =	vadd.f32 v5, v2;
	v5 =	vld [tilespmem:s7+$0x70]  }
0x1b6: {  	v0 =	vld [tilespmem:s3+$0xFFFFFFB0]  }
.Ltmp4:
0x1b7: {  	[tilespmem:s3+$0xFFFFFFE0] =	vst v1;
	v1 =	vld [tilespmem:s3+$0xFFFFFFF0];
	v2 =	vadd.f32 v8, v7;
	(pc) =	sbr.rel @p0 .LBB2_11-.Ltmp4, $4  }
0x1b8: {  	v4 =	vadd.f32 v3, v6;
	v3 =	vld [tilespmem:s7+$0xFFFFFFF0]  }
0x1b9: {  	[tilespmem:s3+$0x20] =	vst v2;
	v2 =	vld [tilespmem:s3+$0x30]  }
0x1ba: {  	[tilespmem:s3+$0xFFFFFFA0] =	vst v4;
	v4 =	vld [tilespmem:s7+$0x30];
	v6 =	vadd.f32 v5, v9  }
0x1bb: {  	s3 =	sadd.s32 $0x100, s3;
	v5 =	vld [tilespmem:s7+$0xFFFFFFB0]  }
0x1bc: {  	_ =	sdelay $0x1  }
0x1bd: {  	s15 =	sshll.u32 s15, $0x2;
	v1 =	vadd.f32 v3, v1  }
0x1be: {  	[tilespmem:s6+$0x70] =	vst v6;
	s3 =	sadd.s32 s4, s15;
	v2 =	vadd.f32 v4, v2  }
0x1bf: {  	s3 =	smul.u32 $0x640, s3;
	[tilespmem:s6+$0xFFFFFFF0] =	vst v1;
	v0 =	vadd.f32 v5, v0  }
0x1c0: {  	[tilespmem:s6+$0x30] =	vst v2  }
0x1c1: {  	s3 =	sadd.s32 s2, s3;
	[tilespmem:s6+$0xFFFFFFB0] =	vst v0  }
0x1c2: {  	[hbm4b:s3+s21] =	stream.strided.scatter [tilespmem:s28], [sflag:$0xD], $0x1900, s22, s21, $0x38;
	[tilespmem:$0x16200] =	vst v63  }
0x1c3: {  	_ =	swait.ge [sflag:s29], $0x1900  }
0x1c4: {  	[sflag:s29] =	ssyncset.done $0x0  }
0x1c5: {  	s6 =	simm.s32 $0x11780;
	[sflag:s29] =	ssyncadd.s32 $0xFFFFE700  }
0x1c6: {  	s7 =	simm.s32 $0x81F0;
	v0 =	vld [tilespmem:s6+$0x40]  }
0x1c7: {  	v1 =	vld [tilespmem:s7+$0xFFFFFFD0]  }
0x1c8: {  	v2 =	vld [tilespmem:s6+$0xFFFFFFC0]  }
0x1c9: {  	v3 =	vld [tilespmem:s7+$0xFFFFFF50]  }
0x1ca: {  	v4 =	vld [tilespmem:s6+$0x0]  }
0x1cb: {  	v5 =	vld [tilespmem:s7+$0xFFFFFF90]  }
0x1cc: {  	v6 =	vld [tilespmem:s6+$0xFFFFFF80];
	v0 =	vadd.f32 v1, v0  }
0x1cd: {  	v1 =	vld [tilespmem:s7+$0xFFFFFF10]  }
0x1ce: {  	[tilespmem:s6+$0x40] =	vst v0;
	v0 =	vld [tilespmem:s6+$0x50]  }
0x1cf: {  	v2 =	vadd.f32 v3, v2;
	v3 =	vld [tilespmem:s7+$0xFFFFFFE0]  }
0x1d0: {  	v7 =	vld [tilespmem:s6+$0xFFFFFF90]  }
0x1d1: {  	[tilespmem:s6+$0xFFFFFFC0] =	vst v2;
	v2 =	vadd.f32 v5, v4;
	v4 =	vld [tilespmem:s6+$0xFFFFFFD0]  }
0x1d2: {  	v5 =	vld [tilespmem:s7+$0xFFFFFF60];
	v1 =	vadd.f32 v1, v6  }
0x1d3: {  	[tilespmem:s6+$0x0] =	vst v2;
	v2 =	vld [tilespmem:s6+$0x10]  }
0x1d4: {  	v6 =	vld [tilespmem:s7+$0xFFFFFFA0];
	[tilespmem:s6+$0xFFFFFF80] =	vst v1;
	v0 =	vadd.f32 v3, v0  }
0x1d5: {  	v1 =	vld [tilespmem:s7+$0xFFFFFF20]  }
0x1d6: {  	[tilespmem:s6+$0x50] =	vst v0;
	v0 =	vld [tilespmem:s6+$0x60]  }
0x1d7: {  	v3 =	vadd.f32 v5, v4;
	v4 =	vld [tilespmem:s7+$0xFFFFFFF0]  }
0x1d8: {  	v5 =	vld [tilespmem:s6+$0xFFFFFFA0]  }
0x1d9: {  	[tilespmem:s6+$0xFFFFFFD0] =	vst v3;
	v2 =	vadd.f32 v6, v2;
	v3 =	vld [tilespmem:s6+$0xFFFFFFE0]  }
0x1da: {  	v6 =	vld [tilespmem:s7+$0xFFFFFF70];
	v1 =	vadd.f32 v1, v7  }
0x1db: {  	[tilespmem:s6+$0x10] =	vst v2;
	v2 =	vld [tilespmem:s6+$0x20]  }
0x1dc: {  	v7 =	vld [tilespmem:s7+$0xFFFFFFB0];
	[tilespmem:s6+$0xFFFFFF90] =	vst v1;
	v0 =	vadd.f32 v4, v0  }
0x1dd: {  	v4 =	vld [tilespmem:s7+$0xFFFFFF30]  }
0x1de: {  	v8 =	vld [tilespmem:s6+$0x70];
	[tilespmem:s6+$0x60] =	vst v0  }
0x1df: {  	v1 =	vadd.f32 v6, v3;
	v6 =	vld [tilespmem:s7+$0x0]  }
0x1e0: {  	v0 =	vld [tilespmem:s6+$0xFFFFFFB0]  }
0x1e1: {  	[tilespmem:s6+$0xFFFFFFE0] =	vst v1;
	v2 =	vadd.f32 v7, v2;
	v1 =	vld [tilespmem:s6+$0xFFFFFFF0]  }
0x1e2: {  	v3 =	vld [tilespmem:s7+$0xFFFFFF80];
	v4 =	vadd.f32 v4, v5  }
0x1e3: {  	[tilespmem:s6+$0x20] =	vst v2;
	v2 =	vld [tilespmem:s6+$0x30]  }
0x1e4: {  	[tilespmem:s6+$0xFFFFFFA0] =	vst v4;
	v4 =	vld [tilespmem:s7+$0xFFFFFFC0];
	v6 =	vadd.f32 v6, v8  }
0x1e5: {  	s8 =	simm.s32 $0x0;
	s3 =	simm.s32 $0x11880;
	v5 =	vld [tilespmem:s7+$0xFFFFFF40]  }
.LBB2_13:
0x1e6: {  	v7 =	vld [tilespmem:s3+$0x40];
	[tilespmem:s6+$0x70] =	vst v6;
	s7 =	sadd.s32 $0x100, s7  }
0x1e7: {  	s8 =	sadd.s32 $0x4, s8;
	v6 =	vld [tilespmem:s7+$0xFFFFFFD0];
	v1 =	vadd.f32 v3, v1  }
0x1e8: {  	p0 =	slt.u32 s8, $0x60;
	v3 =	vld [tilespmem:s7+$0xFFFFFF10]  }
0x1e9: {  	v8 =	vld [tilespmem:s3+$0xFFFFFFC0];
	[tilespmem:s6+$0xFFFFFFF0] =	vst v1;
	v1 =	vadd.f32 v4, v2  }
0x1ea: {  	v2 =	vld [tilespmem:s7+$0xFFFFFF50];
	v0 =	vadd.f32 v5, v0  }
0x1eb: {  	v4 =	vld [tilespmem:s3+$0x0];
	[tilespmem:s6+$0x30] =	vst v1  }
0x1ec: {  	v1 =	vld [tilespmem:s7+$0xFFFFFF90];
	v5 =	vadd.f32 v6, v7;
	[tilespmem:s6+$0xFFFFFFB0] =	vst v0;
	s6 =	smov.u32 s3  }
0x1ed: {  	v0 =	vld [tilespmem:s3+$0xFFFFFF80]  }
0x1ee: {  	[tilespmem:s3+$0x40] =	vst v5;
	v5 =	vld [tilespmem:s3+$0x50]  }
0x1ef: {  	v2 =	vadd.f32 v2, v8;
	v6 =	vld [tilespmem:s7+$0xFFFFFFE0]  }
0x1f0: {  	v7 =	vld [tilespmem:s3+$0xFFFFFF90]  }
0x1f1: {  	[tilespmem:s3+$0xFFFFFFC0] =	vst v2;
	v2 =	vld [tilespmem:s3+$0xFFFFFFD0];
	v1 =	vadd.f32 v1, v4  }
0x1f2: {  	v0 =	vadd.f32 v3, v0;
	v3 =	vld [tilespmem:s7+$0xFFFFFF60]  }
0x1f3: {  	[tilespmem:s3+$0x0] =	vst v1;
	v1 =	vld [tilespmem:s3+$0x10]  }
0x1f4: {  	[tilespmem:s3+$0xFFFFFF80] =	vst v0;
	v0 =	vld [tilespmem:s7+$0xFFFFFFA0];
	v4 =	vadd.f32 v6, v5  }
0x1f5: {  	v5 =	vld [tilespmem:s7+$0xFFFFFF20]  }
0x1f6: {  	[tilespmem:s3+$0x50] =	vst v4;
	v4 =	vld [tilespmem:s3+$0x60]  }
0x1f7: {  	v2 =	vadd.f32 v3, v2;
	v3 =	vld [tilespmem:s7+$0xFFFFFFF0]  }
0x1f8: {  	v6 =	vld [tilespmem:s3+$0xFFFFFFA0]  }
0x1f9: {  	[tilespmem:s3+$0xFFFFFFD0] =	vst v2;
	v2 =	vld [tilespmem:s3+$0xFFFFFFE0];
	v0 =	vadd.f32 v0, v1  }
0x1fa: {  	v1 =	vadd.f32 v5, v7;
	v5 =	vld [tilespmem:s7+$0xFFFFFF70]  }
0x1fb: {  	[tilespmem:s3+$0x10] =	vst v0;
	v7 =	vld [tilespmem:s3+$0x20]  }
0x1fc: {  	[tilespmem:s3+$0xFFFFFF90] =	vst v1;
	v8 =	vld [tilespmem:s7+$0xFFFFFFB0];
	v0 =	vadd.f32 v3, v4  }
0x1fd: {  	v3 =	vld [tilespmem:s7+$0xFFFFFF30]  }
0x1fe: {  	[tilespmem:s3+$0x60] =	vst v0;
	v9 =	vld [tilespmem:s3+$0x70]  }
0x1ff: {  	v1 =	vadd.f32 v5, v2;
	v5 =	vld [tilespmem:s7+$0x0]  }
0x200: {  	v0 =	vld [tilespmem:s3+$0xFFFFFFB0]  }
.Ltmp5:
0x201: {  	[tilespmem:s3+$0xFFFFFFE0] =	vst v1;
	v1 =	vld [tilespmem:s3+$0xFFFFFFF0];
	v2 =	vadd.f32 v8, v7;
	(pc) =	sbr.rel @p0 .LBB2_13-.Ltmp5, $4  }
0x202: {  	v4 =	vadd.f32 v3, v6;
	v3 =	vld [tilespmem:s7+$0xFFFFFF80]  }
0x203: {  	[tilespmem:s3+$0x20] =	vst v2;
	v2 =	vld [tilespmem:s3+$0x30]  }
0x204: {  	[tilespmem:s3+$0xFFFFFFA0] =	vst v4;
	v4 =	vld [tilespmem:s7+$0xFFFFFFC0];
	v6 =	vadd.f32 v5, v9  }
0x205: {  	s3 =	sadd.s32 $0x100, s3;
	v5 =	vld [tilespmem:s7+$0xFFFFFF40]  }
0x206: {  	_ =	sdelay $0x1  }
0x207: {  	s3 =	sadd.s32 s15, s4;
	v1 =	vadd.f32 v3, v1  }
0x208: {  	[tilespmem:s6+$0x70] =	vst v6;
	s3 =	smul.u32 $0x640, s3;
	v2 =	vadd.f32 v4, v2  }
0x209: {  	[tilespmem:s6+$0xFFFFFFF0] =	vst v1;
	v0 =	vadd.f32 v5, v0  }
0x20a: {  	s15 =	sadd.s32 s2, s3;
	[tilespmem:s6+$0x30] =	vst v2  }
0x20b: {  	s3 =	sadd.s32 $0x640, s15;
	[tilespmem:s6+$0xFFFFFFB0] =	vst v0  }
0x20c: {  	[hbm4b:s3+s21] =	stream.strided.scatter [tilespmem:s30], [sflag:$0xE], $0x1900, s22, s21, $0x38;
	[tilespmem:$0x16200] =	vst v63  }
0x20d: {  	_ =	swait.ge [sflag:s31], $0x1900  }
0x20e: {  	[sflag:s31] =	ssyncset.done $0x0  }
0x20f: {  	s6 =	simm.s32 $0x13080;
	[sflag:s31] =	ssyncadd.s32 $0xFFFFE700  }
0x210: {  	s7 =	simm.s32 $0x6880;
	v0 =	vld [tilespmem:s6+$0x40]  }
0x211: {  	v1 =	vld [tilespmem:s7+$0x40]  }
0x212: {  	v2 =	vld [tilespmem:s6+$0xFFFFFFC0]  }
0x213: {  	v3 =	vld [tilespmem:s7+$0xFFFFFFC0]  }
0x214: {  	v4 =	vld [tilespmem:s6+$0x0]  }
0x215: {  	v5 =	vld [tilespmem:s7+$0x0]  }
0x216: {  	v6 =	vld [tilespmem:s6+$0xFFFFFF80];
	v0 =	vadd.f32 v1, v0  }
0x217: {  	v1 =	vld [tilespmem:s7+$0xFFFFFF80]  }
0x218: {  	[tilespmem:s6+$0x40] =	vst v0;
	v0 =	vld [tilespmem:s6+$0x50]  }
0x219: {  	v2 =	vadd.f32 v3, v2;
	v3 =	vld [tilespmem:s7+$0x50]  }
0x21a: {  	v7 =	vld [tilespmem:s6+$0xFFFFFF90]  }
0x21b: {  	[tilespmem:s6+$0xFFFFFFC0] =	vst v2;
	v2 =	vadd.f32 v5, v4;
	v4 =	vld [tilespmem:s6+$0xFFFFFFD0]  }
0x21c: {  	v5 =	vld [tilespmem:s7+$0xFFFFFFD0];
	v1 =	vadd.f32 v1, v6  }
0x21d: {  	[tilespmem:s6+$0x0] =	vst v2;
	v2 =	vld [tilespmem:s6+$0x10]  }
0x21e: {  	v6 =	vld [tilespmem:s7+$0x10];
	[tilespmem:s6+$0xFFFFFF80] =	vst v1;
	v0 =	vadd.f32 v3, v0  }
0x21f: {  	v1 =	vld [tilespmem:s7+$0xFFFFFF90]  }
0x220: {  	[tilespmem:s6+$0x50] =	vst v0;
	v0 =	vld [tilespmem:s6+$0x60]  }
0x221: {  	v3 =	vadd.f32 v5, v4;
	v4 =	vld [tilespmem:s7+$0x60]  }
0x222: {  	v5 =	vld [tilespmem:s6+$0xFFFFFFA0]  }
0x223: {  	[tilespmem:s6+$0xFFFFFFD0] =	vst v3;
	v2 =	vadd.f32 v6, v2;
	v3 =	vld [tilespmem:s6+$0xFFFFFFE0]  }
0x224: {  	v6 =	vld [tilespmem:s7+$0xFFFFFFE0];
	v1 =	vadd.f32 v1, v7  }
0x225: {  	[tilespmem:s6+$0x10] =	vst v2;
	v2 =	vld [tilespmem:s6+$0x20]  }
0x226: {  	v7 =	vld [tilespmem:s7+$0x20];
	[tilespmem:s6+$0xFFFFFF90] =	vst v1;
	v0 =	vadd.f32 v4, v0  }
0x227: {  	v4 =	vld [tilespmem:s7+$0xFFFFFFA0]  }
0x228: {  	v8 =	vld [tilespmem:s6+$0x70];
	[tilespmem:s6+$0x60] =	vst v0  }
0x229: {  	v1 =	vadd.f32 v6, v3;
	v6 =	vld [tilespmem:s7+$0x70]  }
0x22a: {  	v0 =	vld [tilespmem:s6+$0xFFFFFFB0]  }
0x22b: {  	[tilespmem:s6+$0xFFFFFFE0] =	vst v1;
	v2 =	vadd.f32 v7, v2;
	v1 =	vld [tilespmem:s6+$0xFFFFFFF0]  }
0x22c: {  	v3 =	vld [tilespmem:s7+$0xFFFFFFF0];
	v4 =	vadd.f32 v4, v5  }
0x22d: {  	[tilespmem:s6+$0x20] =	vst v2;
	v2 =	vld [tilespmem:s6+$0x30]  }
0x22e: {  	[tilespmem:s6+$0xFFFFFFA0] =	vst v4;
	v4 =	vld [tilespmem:s7+$0x30];
	v6 =	vadd.f32 v6, v8  }
0x22f: {  	s8 =	simm.s32 $0x0;
	s3 =	simm.s32 $0x13180;
	v5 =	vld [tilespmem:s7+$0xFFFFFFB0]  }
.LBB2_15:
0x230: {  	v7 =	vld [tilespmem:s3+$0x40];
	[tilespmem:s6+$0x70] =	vst v6;
	s7 =	sadd.s32 $0x100, s7  }
0x231: {  	s8 =	sadd.s32 $0x4, s8;
	v6 =	vld [tilespmem:s7+$0x40];
	v1 =	vadd.f32 v3, v1  }
0x232: {  	p0 =	slt.u32 s8, $0x60;
	v3 =	vld [tilespmem:s7+$0xFFFFFF80]  }
0x233: {  	v8 =	vld [tilespmem:s3+$0xFFFFFFC0];
	[tilespmem:s6+$0xFFFFFFF0] =	vst v1;
	v1 =	vadd.f32 v4, v2  }
0x234: {  	v2 =	vld [tilespmem:s7+$0xFFFFFFC0];
	v0 =	vadd.f32 v5, v0  }
0x235: {  	v4 =	vld [tilespmem:s3+$0x0];
	[tilespmem:s6+$0x30] =	vst v1  }
0x236: {  	v1 =	vld [tilespmem:s7+$0x0];
	v5 =	vadd.f32 v6, v7;
	[tilespmem:s6+$0xFFFFFFB0] =	vst v0;
	s6 =	smov.u32 s3  }
0x237: {  	v0 =	vld [tilespmem:s3+$0xFFFFFF80]  }
0x238: {  	[tilespmem:s3+$0x40] =	vst v5;
	v5 =	vld [tilespmem:s3+$0x50]  }
0x239: {  	v2 =	vadd.f32 v2, v8;
	v6 =	vld [tilespmem:s7+$0x50]  }
0x23a: {  	v7 =	vld [tilespmem:s3+$0xFFFFFF90]  }
0x23b: {  	[tilespmem:s3+$0xFFFFFFC0] =	vst v2;
	v2 =	vld [tilespmem:s3+$0xFFFFFFD0];
	v1 =	vadd.f32 v1, v4  }
0x23c: {  	v0 =	vadd.f32 v3, v0;
	v3 =	vld [tilespmem:s7+$0xFFFFFFD0]  }
0x23d: {  	[tilespmem:s3+$0x0] =	vst v1;
	v1 =	vld [tilespmem:s3+$0x10]  }
0x23e: {  	[tilespmem:s3+$0xFFFFFF80] =	vst v0;
	v0 =	vld [tilespmem:s7+$0x10];
	v4 =	vadd.f32 v6, v5  }
0x23f: {  	v5 =	vld [tilespmem:s7+$0xFFFFFF90]  }
0x240: {  	[tilespmem:s3+$0x50] =	vst v4;
	v4 =	vld [tilespmem:s3+$0x60]  }
0x241: {  	v2 =	vadd.f32 v3, v2;
	v3 =	vld [tilespmem:s7+$0x60]  }
0x242: {  	v6 =	vld [tilespmem:s3+$0xFFFFFFA0]  }
0x243: {  	[tilespmem:s3+$0xFFFFFFD0] =	vst v2;
	v2 =	vld [tilespmem:s3+$0xFFFFFFE0];
	v0 =	vadd.f32 v0, v1  }
0x244: {  	v1 =	vadd.f32 v5, v7;
	v5 =	vld [tilespmem:s7+$0xFFFFFFE0]  }
0x245: {  	[tilespmem:s3+$0x10] =	vst v0;
	v7 =	vld [tilespmem:s3+$0x20]  }
0x246: {  	[tilespmem:s3+$0xFFFFFF90] =	vst v1;
	v8 =	vld [tilespmem:s7+$0x20];
	v0 =	vadd.f32 v3, v4  }
0x247: {  	v3 =	vld [tilespmem:s7+$0xFFFFFFA0]  }
0x248: {  	[tilespmem:s3+$0x60] =	vst v0;
	v9 =	vld [tilespmem:s3+$0x70]  }
0x249: {  	v1 =	vadd.f32 v5, v2;
	v5 =	vld [tilespmem:s7+$0x70]  }
0x24a: {  	v0 =	vld [tilespmem:s3+$0xFFFFFFB0]  }
.Ltmp6:
0x24b: {  	[tilespmem:s3+$0xFFFFFFE0] =	vst v1;
	v1 =	vld [tilespmem:s3+$0xFFFFFFF0];
	v2 =	vadd.f32 v8, v7;
	(pc) =	sbr.rel @p0 .LBB2_15-.Ltmp6, $4  }
0x24c: {  	v4 =	vadd.f32 v3, v6;
	v3 =	vld [tilespmem:s7+$0xFFFFFFF0]  }
0x24d: {  	[tilespmem:s3+$0x20] =	vst v2;
	v2 =	vld [tilespmem:s3+$0x30]  }
0x24e: {  	[tilespmem:s3+$0xFFFFFFA0] =	vst v4;
	v4 =	vld [tilespmem:s7+$0x30];
	v6 =	vadd.f32 v5, v9  }
0x24f: {  	s3 =	sadd.s32 $0x100, s3;
	v5 =	vld [tilespmem:s7+$0xFFFFFFB0]  }
0x250: {  	_ =	sdelay $0x1  }
0x251: {  	v1 =	vadd.f32 v3, v1  }
0x252: {  	[tilespmem:s6+$0x70] =	vst v6;
	v2 =	vadd.f32 v4, v2  }
0x253: {  	[tilespmem:s6+$0xFFFFFFF0] =	vst v1;
	v0 =	vadd.f32 v5, v0  }
0x254: {  	[tilespmem:s6+$0x30] =	vst v2  }
0x255: {  	s3 =	sadd.s32 $0xC80, s15;
	[tilespmem:s6+$0xFFFFFFB0] =	vst v0  }
0x256: {  	[hbm4b:s3+s21] =	stream.strided.scatter [tilespmem:s1], [sflag:$0xF], $0x1900, s22, s21, $0x38;
	[tilespmem:$0x16200] =	vst v63  }
0x257: {  	_ =	swait.ge [sflag:s0], $0x1900  }
0x258: {  	[sflag:s0] =	ssyncset.done $0x0  }
0x259: {  	s6 =	simm.s32 $0x14980;
	[sflag:s0] =	ssyncadd.s32 $0xFFFFE700  }
0x25a: {  	s7 =	simm.s32 $0x81F0;
	v0 =	vld [tilespmem:s6+$0x40]  }
0x25b: {  	v1 =	vld [tilespmem:s7+$0xFFFFFFD0]  }
0x25c: {  	v2 =	vld [tilespmem:s6+$0xFFFFFFC0]  }
0x25d: {  	v3 =	vld [tilespmem:s7+$0xFFFFFF50]  }
0x25e: {  	v4 =	vld [tilespmem:s6+$0x0]  }
0x25f: {  	v5 =	vld [tilespmem:s7+$0xFFFFFF90]  }
0x260: {  	v6 =	vld [tilespmem:s6+$0xFFFFFF80];
	v0 =	vadd.f32 v1, v0  }
0x261: {  	v1 =	vld [tilespmem:s7+$0xFFFFFF10]  }
0x262: {  	[tilespmem:s6+$0x40] =	vst v0;
	v0 =	vld [tilespmem:s6+$0x50]  }
0x263: {  	v2 =	vadd.f32 v3, v2;
	v3 =	vld [tilespmem:s7+$0xFFFFFFE0]  }
0x264: {  	v7 =	vld [tilespmem:s6+$0xFFFFFF90]  }
0x265: {  	[tilespmem:s6+$0xFFFFFFC0] =	vst v2;
	v2 =	vadd.f32 v5, v4;
	v4 =	vld [tilespmem:s6+$0xFFFFFFD0]  }
0x266: {  	v5 =	vld [tilespmem:s7+$0xFFFFFF60];
	v1 =	vadd.f32 v1, v6  }
0x267: {  	[tilespmem:s6+$0x0] =	vst v2;
	v2 =	vld [tilespmem:s6+$0x10]  }
0x268: {  	v6 =	vld [tilespmem:s7+$0xFFFFFFA0];
	[tilespmem:s6+$0xFFFFFF80] =	vst v1;
	v0 =	vadd.f32 v3, v0  }
0x269: {  	v1 =	vld [tilespmem:s7+$0xFFFFFF20]  }
0x26a: {  	[tilespmem:s6+$0x50] =	vst v0;
	v0 =	vld [tilespmem:s6+$0x60]  }
0x26b: {  	v3 =	vadd.f32 v5, v4;
	v4 =	vld [tilespmem:s7+$0xFFFFFFF0]  }
0x26c: {  	v5 =	vld [tilespmem:s6+$0xFFFFFFA0]  }
0x26d: {  	[tilespmem:s6+$0xFFFFFFD0] =	vst v3;
	v2 =	vadd.f32 v6, v2;
	v3 =	vld [tilespmem:s6+$0xFFFFFFE0]  }
0x26e: {  	v6 =	vld [tilespmem:s7+$0xFFFFFF70];
	v1 =	vadd.f32 v1, v7  }
0x26f: {  	[tilespmem:s6+$0x10] =	vst v2;
	v2 =	vld [tilespmem:s6+$0x20]  }
0x270: {  	v7 =	vld [tilespmem:s7+$0xFFFFFFB0];
	[tilespmem:s6+$0xFFFFFF90] =	vst v1;
	v0 =	vadd.f32 v4, v0  }
0x271: {  	v4 =	vld [tilespmem:s7+$0xFFFFFF30]  }
0x272: {  	v8 =	vld [tilespmem:s6+$0x70];
	[tilespmem:s6+$0x60] =	vst v0  }
0x273: {  	v1 =	vadd.f32 v6, v3;
	v6 =	vld [tilespmem:s7+$0x0]  }
0x274: {  	v0 =	vld [tilespmem:s6+$0xFFFFFFB0]  }
0x275: {  	[tilespmem:s6+$0xFFFFFFE0] =	vst v1;
	v2 =	vadd.f32 v7, v2;
	v1 =	vld [tilespmem:s6+$0xFFFFFFF0]  }
0x276: {  	v3 =	vld [tilespmem:s7+$0xFFFFFF80];
	v4 =	vadd.f32 v4, v5  }
0x277: {  	[tilespmem:s6+$0x20] =	vst v2;
	v2 =	vld [tilespmem:s6+$0x30]  }
0x278: {  	[tilespmem:s6+$0xFFFFFFA0] =	vst v4;
	v4 =	vld [tilespmem:s7+$0xFFFFFFC0];
	v6 =	vadd.f32 v6, v8  }
0x279: {  	s8 =	simm.s32 $0x0;
	s3 =	simm.s32 $0x14A80;
	v5 =	vld [tilespmem:s7+$0xFFFFFF40]  }
.LBB2_17:
0x27a: {  	v7 =	vld [tilespmem:s3+$0x40];
	[tilespmem:s6+$0x70] =	vst v6;
	s7 =	sadd.s32 $0x100, s7  }
0x27b: {  	s8 =	sadd.s32 $0x4, s8;
	v6 =	vld [tilespmem:s7+$0xFFFFFFD0];
	v1 =	vadd.f32 v3, v1  }
0x27c: {  	p0 =	slt.u32 s8, $0x60;
	v3 =	vld [tilespmem:s7+$0xFFFFFF10]  }
0x27d: {  	v8 =	vld [tilespmem:s3+$0xFFFFFFC0];
	[tilespmem:s6+$0xFFFFFFF0] =	vst v1;
	v1 =	vadd.f32 v4, v2  }
0x27e: {  	v2 =	vld [tilespmem:s7+$0xFFFFFF50];
	v0 =	vadd.f32 v5, v0  }
0x27f: {  	v4 =	vld [tilespmem:s3+$0x0];
	[tilespmem:s6+$0x30] =	vst v1  }
0x280: {  	v1 =	vld [tilespmem:s7+$0xFFFFFF90];
	v5 =	vadd.f32 v6, v7;
	[tilespmem:s6+$0xFFFFFFB0] =	vst v0;
	s6 =	smov.u32 s3  }
0x281: {  	v0 =	vld [tilespmem:s3+$0xFFFFFF80]  }
0x282: {  	[tilespmem:s3+$0x40] =	vst v5;
	v5 =	vld [tilespmem:s3+$0x50]  }
0x283: {  	v2 =	vadd.f32 v2, v8;
	v6 =	vld [tilespmem:s7+$0xFFFFFFE0]  }
0x284: {  	v7 =	vld [tilespmem:s3+$0xFFFFFF90]  }
0x285: {  	[tilespmem:s3+$0xFFFFFFC0] =	vst v2;
	v2 =	vld [tilespmem:s3+$0xFFFFFFD0];
	v1 =	vadd.f32 v1, v4  }
0x286: {  	v0 =	vadd.f32 v3, v0;
	v3 =	vld [tilespmem:s7+$0xFFFFFF60]  }
0x287: {  	[tilespmem:s3+$0x0] =	vst v1;
	v1 =	vld [tilespmem:s3+$0x10]  }
0x288: {  	[tilespmem:s3+$0xFFFFFF80] =	vst v0;
	v0 =	vld [tilespmem:s7+$0xFFFFFFA0];
	v4 =	vadd.f32 v6, v5  }
0x289: {  	v5 =	vld [tilespmem:s7+$0xFFFFFF20]  }
0x28a: {  	[tilespmem:s3+$0x50] =	vst v4;
	v4 =	vld [tilespmem:s3+$0x60]  }
0x28b: {  	v2 =	vadd.f32 v3, v2;
	v3 =	vld [tilespmem:s7+$0xFFFFFFF0]  }
0x28c: {  	v6 =	vld [tilespmem:s3+$0xFFFFFFA0]  }
0x28d: {  	[tilespmem:s3+$0xFFFFFFD0] =	vst v2;
	v2 =	vld [tilespmem:s3+$0xFFFFFFE0];
	v0 =	vadd.f32 v0, v1  }
0x28e: {  	v1 =	vadd.f32 v5, v7;
	v5 =	vld [tilespmem:s7+$0xFFFFFF70]  }
0x28f: {  	[tilespmem:s3+$0x10] =	vst v0;
	v7 =	vld [tilespmem:s3+$0x20]  }
0x290: {  	[tilespmem:s3+$0xFFFFFF90] =	vst v1;
	v8 =	vld [tilespmem:s7+$0xFFFFFFB0];
	v0 =	vadd.f32 v3, v4  }
0x291: {  	v3 =	vld [tilespmem:s7+$0xFFFFFF30]  }
0x292: {  	[tilespmem:s3+$0x60] =	vst v0;
	v9 =	vld [tilespmem:s3+$0x70]  }
0x293: {  	v1 =	vadd.f32 v5, v2;
	v5 =	vld [tilespmem:s7+$0x0]  }
0x294: {  	v0 =	vld [tilespmem:s3+$0xFFFFFFB0]  }
.Ltmp7:
0x295: {  	[tilespmem:s3+$0xFFFFFFE0] =	vst v1;
	v1 =	vld [tilespmem:s3+$0xFFFFFFF0];
	v2 =	vadd.f32 v8, v7;
	(pc) =	sbr.rel @p0 .LBB2_17-.Ltmp7, $4  }
0x296: {  	v4 =	vadd.f32 v3, v6;
	v3 =	vld [tilespmem:s7+$0xFFFFFF80]  }
0x297: {  	[tilespmem:s3+$0x20] =	vst v2;
	v2 =	vld [tilespmem:s3+$0x30]  }
0x298: {  	[tilespmem:s3+$0xFFFFFFA0] =	vst v4;
	v4 =	vld [tilespmem:s7+$0xFFFFFFC0];
	v6 =	vadd.f32 v5, v9  }
0x299: {  	s3 =	sadd.s32 $0x100, s3;
	v5 =	vld [tilespmem:s7+$0xFFFFFF40]  }
0x29a: {  	_ = 	snop  }
0x29b: {  	s13 =	sadd.s32 $0x1, s13  }
0x29c: {  	v1 =	vadd.f32 v3, v1;
	p0 =	sne.s32 s13, $0x20  }
.Ltmp8:
0x29d: {  	[tilespmem:s6+$0x70] =	vst v6;
	v2 =	vadd.f32 v4, v2;
	(pc) =	sbr.rel @p0 .LBB2_2-.Ltmp8, $4  }
0x29e: {  	[tilespmem:s6+$0xFFFFFFF0] =	vst v1;
	v0 =	vadd.f32 v5, v0  }
0x29f: {  	[tilespmem:s6+$0x30] =	vst v2  }
0x2a0: {  	s3 =	sadd.s32 $0x12C0, s15;
	[tilespmem:s6+$0xFFFFFFB0] =	vst v0  }
0x2a1: {  	[hbm4b:s3+s21] =	stream.strided.scatter [tilespmem:s19], [sflag:$0x10], $0x1900, s22, s21, $0x38;
	[tilespmem:$0x16200] =	vst v63  }
0x2a2: {  	s3 =	simm.s32 $0x9  }
0x2a3: {  	_ =	swait.ge [sflag:s3], $0x1900  }
0x2a4: {  	[sflag:s3] =	ssyncset.done $0x0  }
0x2a5: {  	s6 =	simm.s32 $0xA;
	[sflag:s3] =	ssyncadd.s32 $0xFFFFE700  }
0x2a6: {  	_ =	swait.ge [sflag:s6], $0x1900  }
0x2a7: {  	[sflag:s6] =	ssyncset.done $0x0  }
0x2a8: {  	s7 =	simm.s32 $0xB;
	[sflag:s6] =	ssyncadd.s32 $0xFFFFE700  }
0x2a9: {  	_ =	swait.ge [sflag:s7], $0x1900  }
0x2aa: {  	[sflag:s7] =	ssyncset.done $0x0  }
0x2ab: {  	s8 =	simm.s32 $0xC;
	[sflag:s7] =	ssyncadd.s32 $0xFFFFE700  }
0x2ac: {  	_ =	swait.ge [sflag:s8], $0x1900  }
0x2ad: {  	[sflag:s8] =	ssyncset.done $0x0  }
0x2ae: {  	s9 =	simm.s32 $0xD;
	[sflag:s8] =	ssyncadd.s32 $0xFFFFE700  }
0x2af: {  	_ =	swait.ge [sflag:s9], $0x1900  }
0x2b0: {  	[sflag:s9] =	ssyncset.done $0x0  }
0x2b1: {  	s13 =	simm.s32 $0xE;
	[sflag:s9] =	ssyncadd.s32 $0xFFFFE700  }
0x2b2: {  	_ =	swait.ge [sflag:s13], $0x1900  }
0x2b3: {  	[sflag:s13] =	ssyncset.done $0x0  }
0x2b4: {  	s15 =	simm.s32 $0xF;
	[sflag:s13] =	ssyncadd.s32 $0xFFFFE700  }
0x2b5: {  	_ =	swait.ge [sflag:s15], $0x1900  }
0x2b6: {  	[sflag:s15] =	ssyncset.done $0x0  }
0x2b7: {  	s6 =	simm.s32 $0x10;
	[sflag:s15] =	ssyncadd.s32 $0xFFFFE700  }
0x2b8: {  	_ =	swait.ge [sflag:s6], $0x1900  }
0x2b9: {  	s10 =	sadd.s32 $0x1, s10;
	s17 =	rddreg [dreg:$0x5]  }
0x2ba: {  	p0 =	sne.s32 s10, s17  }
.Ltmp9:
0x2bb: {  	_ = 	snop;
	(pc) =	sbr.rel @p0 .LBB2_1-.Ltmp9, $3  }
0x2bc: {  	_ =	sdelay $0x1  }
0x2bd: {  	[sflag:s6] =	ssyncset.done $0x0  }
0x2be: {  	[sflag:s6] =	ssyncadd.s32 $0xFFFFE700  }
0x2bf: {  	_ =	sfence.sel $0x180000  }
0x2c0: {  	[bflag:$0x0] =	sbarrier.arrive $0xFFFF  }
0x2c1: {  	_ =	strace $0x90000047  }
0x2c2: {  	s0 =	stileid.u32;
	[bflag:$0x2] =	sbarrier.arrive $0xFFFF  }
0x2c3: {  	p0 =	sne.s32 s0, $0x0;
	s0 =	rddreg [dreg:$0x2]  }
0x2c4: {  	s0 =	sadd.s32 @!p0 $0x100000, s0  }
0x2c5: {  	[sflag:s0] =	ssyncadd.tile.s32 @!p0 $0x1;
	_ =	shalt  }
.Lfunc_end2:
_tile_overlayer_lowered:
.L_overlay_start_2:
0x2c6: {  	(tag) =	ssettag $0x2  }
0x2c7: {  	s0 =	rddreg [dreg:$0x0];
	s2 =	stileid.u32  }
0x2c8: {  	s1 =	rddreg [dreg:$0x1];
	p0 =	sne.s32 s2, $0x0  }
0x2c9: {  	s3 =	rddreg [dreg:$0x2];
	[bflag:$0x3] =	sbarrier.arrive $0xFFFF;
	s2 =	simm.s32 @!p0 $0x1C11  }
0x2ca: {  	[timem:s3], [sflag:s2] =	dma.local @!p0 [hbm:s0], s1  }
0x2cb: {  	s0 =	simm.s32 @!p0 $0x11  }
0x2cc: {  	_ =	swait.ge @!p0 [sflag:s0], s1  }
0x2cd: {  	s1 =	ssub.s32 @!p0 $0x0, s1;
	[sflag:s0] =	ssyncset.done @!p0 $0x0  }
0x2ce: {  	[sflag:s0] =	ssyncadd.s32 @!p0 s1  }
0x2cf: {  	[bflag:$0x3] =	sbarrier.arrive $0xFFFF  }
0x2d0: {  	_ =	shalt  }

</sc_bundles>
